<compile_context>
chip_gen: v7x
topology: tpu7x:2x2x1
jax: 0.10.2.dev20260603
libtpu: 0.0.44.dev20260713+nightly
codegen_flags: <defaults>
</compile_context>

<pallas_src>
import functools

import jax
import jax.numpy as jnp
from jax import lax
from jax.experimental import pallas as pl
from jax.experimental.pallas import tpu as pltpu
from jax.experimental.pallas import tpu_sc as plsc

_INFO = plsc.get_sparse_core_info()
_NC = _INFO.num_cores
_NS = _INFO.num_subcores
_NW = _NC * _NS

_ROWS_PER_CHUNK = 4
_RING = 4
_WDEPTH = 1


def _build_gather(n_total: int, d: int, n_chunks: int, rows_per_chunk: int,
                  ring: int, wdepth: int):
    n_per_w = n_total // _NW
    assert n_per_w == n_chunks * rows_per_chunk
    assert n_chunks % ring == 0
    assert 1 <= wdepth < ring
    n_groups = n_chunks // ring
    mesh = plsc.VectorSubcoreMesh(core_axis_name="c", subcore_axis_name="s")

    @functools.partial(
        pl.kernel,
        mesh=mesh,
        out_type=jax.ShapeDtypeStruct((n_total, d), jnp.float32),
        scratch_types=(
            [pltpu.VMEM((n_chunks, rows_per_chunk), jnp.int32)]
            + [pltpu.VMEM((rows_per_chunk, d), jnp.float32) for _ in range(ring)]
            + [pltpu.VMEM_SHARED((_NS, ring // 2, rows_per_chunk, d), jnp.float32)]
            + [pltpu.SemaphoreType.DMA for _ in range(3 * ring)]
        ),
    )
    def gather_kernel(idx_hbm, table_hbm, out_hbm, idx_v, *bufs_and_sems):
        bufs = list(bufs_and_sems[:ring])
        spm = bufs_and_sems[ring]
        gsem = list(bufs_and_sems[ring + 1:2 * ring + 1])
        wsem = list(bufs_and_sems[2 * ring + 1:3 * ring + 1])
        hsem = list(bufs_and_sems[3 * ring + 1:])
        sid = lax.axis_index("s")
        wid = sid * _NC + lax.axis_index("c")
        base = wid * n_per_w

        pltpu.sync_copy(idx_hbm.at[wid], idx_v)

        def issue_gather(chunk, slot):
            pltpu.async_copy(table_hbm.at[idx_v.at[chunk]], bufs[slot],
                             gsem[slot])

        def wait_gather(slot):
            pltpu.make_async_copy(table_hbm.at[idx_v.at[0]], bufs[slot],
                                  gsem[slot]).wait()

        def out_slice(chunk):
            return out_hbm.at[pl.ds(base + chunk * rows_per_chunk,
                                    rows_per_chunk)]

        def issue_write(chunk, slot):
            if slot % 2 == 0:
                pltpu.async_copy(bufs[slot], out_slice(chunk), wsem[slot])
            else:
                @pl.when(chunk >= ring)
                def _():
                    pltpu.make_async_copy(spm.at[sid, slot // 2], out_slice(0),
                                          hsem[slot]).wait()
                pltpu.async_copy(bufs[slot], spm.at[sid, slot // 2], wsem[slot])

        def wait_write(slot, chunk=None):
            pltpu.make_async_copy(bufs[slot],
                                  out_hbm.at[pl.ds(base, rows_per_chunk)],
                                  wsem[slot]).wait()
            if slot % 2 == 1 and chunk is not None:
                pltpu.async_copy(spm.at[sid, slot // 2], out_slice(chunk),
                                 hsem[slot])

        lead = ring - wdepth

        for b in range(lead):
            issue_gather(b, b)

        def group(gr, _):
            for b in range(ring):
                chunk = gr * ring + b
                wait_gather(b)
                issue_write(chunk, b)
                slot = (b - wdepth) % ring
                if b < wdepth:
                    @pl.when(gr > 0)
                    def _():
                        wait_write(slot, chunk - wdepth)
                else:
                    wait_write(slot, chunk - wdepth)
                refill = chunk + lead
                if b < wdepth:
                    issue_gather(refill, slot)
                else:
                    @pl.when(refill < n_chunks)
                    def _():
                        issue_gather(refill, slot)
            return ()

        lax.fori_loop(0, n_groups, group, (), unroll=False)

        for b in range(ring - wdepth, ring):
            wait_write(b, n_chunks - wdepth + (b - (ring - wdepth)))
        for b in range(1, ring, 2):
            pltpu.make_async_copy(spm.at[sid, b // 2],
                                  out_hbm.at[pl.ds(base, rows_per_chunk)],
                                  hsem[b]).wait()

    return gather_kernel


def kernel(indices, table):
    b, s = indices.shape
    v, d = table.shape
    n_total = b * s
    n_chunks = n_total // _NW // _ROWS_PER_CHUNK
    idx = jnp.asarray(indices, jnp.int32).reshape(_NW, n_chunks,
                                                  _ROWS_PER_CHUNK)
    gather = _build_gather(n_total, d, n_chunks, _ROWS_PER_CHUNK, _RING,
                           _WDEPTH)
    out = gather(idx, table)
    return out.reshape(b, s, d)

# --- scband reference (transcript-rebuilt; emitter-appended) ---
"""Pipeline reference for scband-tied-embedding-66288525246731 (READ-ONLY COPY).

The authoritative reference and input builder live on the scoring server;
editing this copy changes nothing except your own understanding.
"""

import jax, jax.numpy as jnp
import numpy as np

WIDTH = 4096
BATCH = 4
SEQ = 4096


def setup_inputs(seed: int = 0) -> dict:
    key = jax.random.key(seed)
    k1, k2 = jax.random.split(key, 2)
    indices = jax.random.randint(k1, (BATCH, SEQ), 0, WIDTH)
    # Tied parameter: nn.Embedding(width, width).weight, shared with lm_head.weight.
    table = jax.random.normal(k2, (WIDTH, WIDTH), dtype=jnp.float32) * 0.02
    return {"indices": indices, "table": table}


def reference(indices, table):
    # TiedEmbedding defines no explicit forward; the canonical forward pass of this
    # module is the embedding lookup (lm_head shares the exact same weight tensor,
    # so the single learned parameter is `table`).
    # gather -> jnp.take(table, idx, axis=0)
    emb = jnp.take(table, indices, axis=0)  # [B, S, width]
    return emb

if __name__ == "__main__":
    import jax
    _d = setup_inputs()
    print(jax.jit(kernel)(*tuple(_d.values())))

</pallas_src>

<mosaic_0001>
#map = affine_map<(d0, d1) -> (0, 0, 0)>
#map1 = affine_map<(d0, d1) -> (0, 0)>
module attributes {stable_mosaic.version = 14 : i64} {
  func.func @gather_kernel(%arg0: i32, %arg1: i32, %arg2: memref<32x128x4xi32, #tpu.memory_space<hbm>>, %arg3: memref<4096x4096xf32, #tpu.memory_space<hbm>>, %arg4: memref<16384x4096xf32, #tpu.memory_space<hbm>>, %arg5: memref<128x4xi32, #tpu.memory_space<vmem>>, %arg6: memref<4x4096xf32, #tpu.memory_space<vmem>>, %arg7: memref<4x4096xf32, #tpu.memory_space<vmem>>, %arg8: memref<4x4096xf32, #tpu.memory_space<vmem>>, %arg9: memref<4x4096xf32, #tpu.memory_space<vmem>>, %arg10: memref<16x2x4x4096xf32, #tpu.memory_space<vmem_shared>>, %arg11: memref<!tpu.dma_semaphore, #tpu.memory_space<semaphore_mem>>, %arg12: memref<!tpu.dma_semaphore, #tpu.memory_space<semaphore_mem>>, %arg13: memref<!tpu.dma_semaphore, #tpu.memory_space<semaphore_mem>>, %arg14: memref<!tpu.dma_semaphore, #tpu.memory_space<semaphore_mem>>, %arg15: memref<!tpu.dma_semaphore, #tpu.memory_space<semaphore_mem>>, %arg16: memref<!tpu.dma_semaphore, #tpu.memory_space<semaphore_mem>>, %arg17: memref<!tpu.dma_semaphore, #tpu.memory_space<semaphore_mem>>, %arg18: memref<!tpu.dma_semaphore, #tpu.memory_space<semaphore_mem>>, %arg19: memref<!tpu.dma_semaphore, #tpu.memory_space<semaphore_mem>>, %arg20: memref<!tpu.dma_semaphore, #tpu.memory_space<semaphore_mem>>, %arg21: memref<!tpu.dma_semaphore, #tpu.memory_space<semaphore_mem>>, %arg22: memref<!tpu.dma_semaphore, #tpu.memory_space<semaphore_mem>>) attributes {dimension_semantics = [#tpu.dimension_semantics<core_parallel>, #tpu.dimension_semantics<subcore_parallel>], iteration_bounds = array<i64: 2, 16>, scalar_prefetch = 0 : i64, scratch_operands = 18 : i64, tpu.core_type = #tpu.core_type<sc_vector_subcore>, window_params = [{transform_indices = #map}, {transform_indices = #map1}, {transform_indices = #map1}]} {
    %mul3A = arith.constant 2 : i32
    %mul3A_0 = arith.muli %arg1, %mul3A : i32
    %add3A = arith.addi %mul3A_0, %arg0 : i32
    %mul3A_1 = arith.constant 512 : i32
    %mul3A_2 = arith.muli %add3A, %mul3A_1 : i32
    "tpu.region"() ({
      %run_scoped3A = tpu.sem_alloc : memref<!tpu.dma_semaphore, #tpu.memory_space<semaphore_mem>>
      %dma_start3A_53 = arith.constant 0 : i32
      %dma_start3A_54 = arith.constant 0 : i32
      %dma_start3A_55 = tpu.memref_slice %arg2[%add3A, %dma_start3A_53, %dma_start3A_54] : memref<32x128x4xi32, #tpu.memory_space<hbm>> -> memref<1x128x4xi32, #tpu.memory_space<hbm>>
      %dma_start3A_56 = tpu.memref_squeeze %dma_start3A_55 : memref<1x128x4xi32, #tpu.memory_space<hbm>> -> memref<128x4xi32, #tpu.memory_space<hbm>>
      %dma_start3A_57 = arith.constant 0 : i32
      %dma_start3A_58 = arith.constant 0 : i32
      %dma_start3A_59 = tpu.memref_slice %arg2[%add3A, %dma_start3A_57, %dma_start3A_58] : memref<32x128x4xi32, #tpu.memory_space<hbm>> -> memref<1x128x4xi32, #tpu.memory_space<hbm>>
      %dma_start3A_60 = tpu.memref_squeeze %dma_start3A_59 : memref<1x128x4xi32, #tpu.memory_space<hbm>> -> memref<128x4xi32, #tpu.memory_space<hbm>>
      tpu.enqueue_dma source(%dma_start3A_60 : memref<128x4xi32, #tpu.memory_space<hbm>>) target(%arg5 : memref<128x4xi32, #tpu.memory_space<vmem>>) target_semaphore(%run_scoped3A : memref<!tpu.dma_semaphore, #tpu.memory_space<semaphore_mem>>)
      %dma_wait3A_61 = arith.constant 0 : i32
      %dma_wait3A_62 = arith.constant 0 : i32
      %dma_wait3A_63 = tpu.memref_slice %arg2[%add3A, %dma_wait3A_61, %dma_wait3A_62] : memref<32x128x4xi32, #tpu.memory_space<hbm>> -> memref<1x128x4xi32, #tpu.memory_space<hbm>>
      %dma_wait3A_64 = tpu.memref_squeeze %dma_wait3A_63 : memref<1x128x4xi32, #tpu.memory_space<hbm>> -> memref<128x4xi32, #tpu.memory_space<hbm>>
      %dma_wait3A_65 = arith.constant 0 : i32
      %dma_wait3A_66 = arith.constant 0 : i32
      %dma_wait3A_67 = tpu.memref_slice %arg2[%add3A, %dma_wait3A_65, %dma_wait3A_66] : memref<32x128x4xi32, #tpu.memory_space<hbm>> -> memref<1x128x4xi32, #tpu.memory_space<hbm>>
      %dma_wait3A_68 = tpu.memref_squeeze %dma_wait3A_67 : memref<1x128x4xi32, #tpu.memory_space<hbm>> -> memref<128x4xi32, #tpu.memory_space<hbm>>
      tpu.wait_dma2 semaphore(%run_scoped3A : memref<!tpu.dma_semaphore, #tpu.memory_space<semaphore_mem>>) src(%dma_wait3A_68 : memref<128x4xi32, #tpu.memory_space<hbm>>) dst(%arg5 : memref<128x4xi32, #tpu.memory_space<vmem>>)
      tpu.yield
    }) : () -> ()
    %dma_start3A = arith.constant 0 : i32
    %dma_start3A_3 = arith.constant 0 : i32
    %dma_start3A_4 = tpu.memref_slice %arg5[%dma_start3A, %dma_start3A_3] : memref<128x4xi32, #tpu.memory_space<vmem>> -> memref<1x4xi32, #tpu.memory_space<vmem>>
    %dma_start3A_5 = tpu.memref_squeeze %dma_start3A_4 : memref<1x4xi32, #tpu.memory_space<vmem>> -> memref<4xi32, #tpu.memory_space<vmem>>
    %dma_start3A_6 = arith.constant 0 : i32
    %dma_start3A_7 = arith.constant 0 : i32
    %dma_start3A_8 = tpu.memref_slice %arg3[%dma_start3A_6, %dma_start3A_7] : memref<4096x4096xf32, #tpu.memory_space<hbm>> -> memref<4096x4096xf32, #tpu.memory_space<hbm>>
    tpu.enqueue_indirect_dma source(%dma_start3A_8 : memref<4096x4096xf32, #tpu.memory_space<hbm>>) target(%arg6 : memref<4x4096xf32, #tpu.memory_space<vmem>>) offsets(%dma_start3A_5 : memref<4xi32, #tpu.memory_space<vmem>>) semaphore(%arg11 : memref<!tpu.dma_semaphore, #tpu.memory_space<semaphore_mem>>)
    %dma_start3A_9 = arith.constant 1 : i32
    %dma_start3A_10 = arith.constant 0 : i32
    %dma_start3A_11 = tpu.memref_slice %arg5[%dma_start3A_9, %dma_start3A_10] : memref<128x4xi32, #tpu.memory_space<vmem>> -> memref<1x4xi32, #tpu.memory_space<vmem>>
    %dma_start3A_12 = tpu.memref_squeeze %dma_start3A_11 : memref<1x4xi32, #tpu.memory_space<vmem>> -> memref<4xi32, #tpu.memory_space<vmem>>
    %dma_start3A_13 = arith.constant 0 : i32
    %dma_start3A_14 = arith.constant 0 : i32
    %dma_start3A_15 = tpu.memref_slice %arg3[%dma_start3A_13, %dma_start3A_14] : memref<4096x4096xf32, #tpu.memory_space<hbm>> -> memref<4096x4096xf32, #tpu.memory_space<hbm>>
    tpu.enqueue_indirect_dma source(%dma_start3A_15 : memref<4096x4096xf32, #tpu.memory_space<hbm>>) target(%arg7 : memref<4x4096xf32, #tpu.memory_space<vmem>>) offsets(%dma_start3A_12 : memref<4xi32, #tpu.memory_space<vmem>>) semaphore(%arg12 : memref<!tpu.dma_semaphore, #tpu.memory_space<semaphore_mem>>)
    %dma_start3A_16 = arith.constant 2 : i32
    %dma_start3A_17 = arith.constant 0 : i32
    %dma_start3A_18 = tpu.memref_slice %arg5[%dma_start3A_16, %dma_start3A_17] : memref<128x4xi32, #tpu.memory_space<vmem>> -> memref<1x4xi32, #tpu.memory_space<vmem>>
    %dma_start3A_19 = tpu.memref_squeeze %dma_start3A_18 : memref<1x4xi32, #tpu.memory_space<vmem>> -> memref<4xi32, #tpu.memory_space<vmem>>
    %dma_start3A_20 = arith.constant 0 : i32
    %dma_start3A_21 = arith.constant 0 : i32
    %dma_start3A_22 = tpu.memref_slice %arg3[%dma_start3A_20, %dma_start3A_21] : memref<4096x4096xf32, #tpu.memory_space<hbm>> -> memref<4096x4096xf32, #tpu.memory_space<hbm>>
    tpu.enqueue_indirect_dma source(%dma_start3A_22 : memref<4096x4096xf32, #tpu.memory_space<hbm>>) target(%arg8 : memref<4x4096xf32, #tpu.memory_space<vmem>>) offsets(%dma_start3A_19 : memref<4xi32, #tpu.memory_space<vmem>>) semaphore(%arg13 : memref<!tpu.dma_semaphore, #tpu.memory_space<semaphore_mem>>)
    %scan3A = arith.constant 0 : i32
    %scan3A_23 = arith.constant 32 : i32
    %scan3A_24 = arith.addi %scan3A, %scan3A_23 : i32
    %scan3A_25 = arith.constant 1 : i32
    scf.for %scan3A_53 = %scan3A to %scan3A_24 step %scan3A_25  : i32 {
      %mul3A_54 = arith.constant 4 : i32
      %mul3A_55 = arith.muli %scan3A_53, %mul3A_54 : i32
      %add3A_56 = arith.constant 0 : i32
      %add3A_57 = arith.addi %mul3A_55, %add3A_56 : i32
      %dma_wait3A_58 = arith.constant 0 : i32
      %dma_wait3A_59 = arith.constant 0 : i32
      %dma_wait3A_60 = tpu.memref_slice %arg5[%dma_wait3A_58, %dma_wait3A_59] : memref<128x4xi32, #tpu.memory_space<vmem>> -> memref<1x4xi32, #tpu.memory_space<vmem>>
      %dma_wait3A_61 = tpu.memref_squeeze %dma_wait3A_60 : memref<1x4xi32, #tpu.memory_space<vmem>> -> memref<4xi32, #tpu.memory_space<vmem>>
      %dma_wait3A_62 = arith.constant 0 : i32
      %dma_wait3A_63 = arith.constant 0 : i32
      %dma_wait3A_64 = tpu.memref_slice %arg3[%dma_wait3A_62, %dma_wait3A_63] : memref<4096x4096xf32, #tpu.memory_space<hbm>> -> memref<4096x4096xf32, #tpu.memory_space<hbm>>
      tpu.wait_indirect_dma semaphore(%arg11 : memref<!tpu.dma_semaphore, #tpu.memory_space<semaphore_mem>>) src(%dma_wait3A_64 : memref<4096x4096xf32, #tpu.memory_space<hbm>>) dst(%arg6 : memref<4x4096xf32, #tpu.memory_space<vmem>>)
      %mul3A_65 = arith.constant 4 : i32
      %mul3A_66 = arith.muli %add3A_57, %mul3A_65 : i32
      %add3A_67 = arith.addi %mul3A_2, %mul3A_66 : i32
      %dma_start3A_68 = arith.constant 0 : i32
      %dma_start3A_69 = tpu.memref_slice %arg4[%add3A_67, %dma_start3A_68] : memref<16384x4096xf32, #tpu.memory_space<hbm>> -> memref<4x4096xf32, #tpu.memory_space<hbm>>
      %dma_start3A_70 = arith.constant 0 : i32
      %dma_start3A_71 = tpu.memref_slice %arg4[%add3A_67, %dma_start3A_70] : memref<16384x4096xf32, #tpu.memory_space<hbm>> -> memref<4x4096xf32, #tpu.memory_space<hbm>>
      tpu.enqueue_dma source(%arg6 : memref<4x4096xf32, #tpu.memory_space<vmem>>) target(%dma_start3A_71 : memref<4x4096xf32, #tpu.memory_space<hbm>>) target_semaphore(%arg15 : memref<!tpu.dma_semaphore, #tpu.memory_space<semaphore_mem>>)
      %gt3A = arith.constant 0 : i32
      %gt3A_72 = arith.cmpi sgt, %scan3A_53, %gt3A : i32
      %convert_element_type3A = arith.extui %gt3A_72 : i1 to i32
      %cond3A = arith.constant 0 : i32
      %cond3A_73 = arith.cmpi ne, %convert_element_type3A, %cond3A : i32
      scf.if %cond3A_73 {
        %sub3A_196 = arith.constant 1 : i32
        %sub3A_197 = arith.subi %add3A_57, %sub3A_196 : i32
        %dma_wait3A_198 = arith.constant 0 : i32
        %dma_wait3A_199 = tpu.memref_slice %arg4[%mul3A_2, %dma_wait3A_198] : memref<16384x4096xf32, #tpu.memory_space<hbm>> -> memref<4x4096xf32, #tpu.memory_space<hbm>>
        %dma_wait3A_200 = arith.constant 0 : i32
        %dma_wait3A_201 = tpu.memref_slice %arg4[%mul3A_2, %dma_wait3A_200] : memref<16384x4096xf32, #tpu.memory_space<hbm>> -> memref<4x4096xf32, #tpu.memory_space<hbm>>
        tpu.wait_dma2 semaphore(%arg18 : memref<!tpu.dma_semaphore, #tpu.memory_space<semaphore_mem>>) src(%arg9 : memref<4x4096xf32, #tpu.memory_space<vmem>>) dst(%dma_wait3A_201 : memref<4x4096xf32, #tpu.memory_space<hbm>>)
        %mul3A_202 = arith.constant 4 : i32
        %mul3A_203 = arith.muli %sub3A_197, %mul3A_202 : i32
        %add3A_204 = arith.addi %mul3A_2, %mul3A_203 : i32
        %dma_start3A_205 = arith.constant 1 : i32
        %dma_start3A_206 = arith.constant 0 : i32
        %dma_start3A_207 = tpu.memref_slice %arg4[%add3A_204, %dma_start3A_206] : memref<16384x4096xf32, #tpu.memory_space<hbm>> -> memref<4x4096xf32, #tpu.memory_space<hbm>>
        %dma_start3A_208 = arith.constant 0 : i32
        %dma_start3A_209 = arith.constant 0 : i32
        %dma_start3A_210 = tpu.memref_slice %arg10[%arg1, %dma_start3A_205, %dma_start3A_208, %dma_start3A_209] : memref<16x2x4x4096xf32, #tpu.memory_space<vmem_shared>> -> memref<1x1x4x4096xf32, #tpu.memory_space<vmem_shared>>
        %dma_start3A_211 = tpu.memref_squeeze %dma_start3A_210 : memref<1x1x4x4096xf32, #tpu.memory_space<vmem_shared>> -> memref<4x4096xf32, #tpu.memory_space<vmem_shared>>
        tpu.enqueue_dma source(%dma_start3A_211 : memref<4x4096xf32, #tpu.memory_space<vmem_shared>>) target(%dma_start3A_207 : memref<4x4096xf32, #tpu.memory_space<hbm>>) target_semaphore(%arg22 : memref<!tpu.dma_semaphore, #tpu.memory_space<semaphore_mem>>)
      } else {
      }
      %add3A_74 = arith.constant 3 : i32
      %add3A_75 = arith.addi %add3A_57, %add3A_74 : i32
      %dma_start3A_76 = arith.constant 0 : i32
      %dma_start3A_77 = tpu.memref_slice %arg5[%add3A_75, %dma_start3A_76] : memref<128x4xi32, #tpu.memory_space<vmem>> -> memref<1x4xi32, #tpu.memory_space<vmem>>
      %dma_start3A_78 = tpu.memref_squeeze %dma_start3A_77 : memref<1x4xi32, #tpu.memory_space<vmem>> -> memref<4xi32, #tpu.memory_space<vmem>>
      %dma_start3A_79 = arith.constant 0 : i32
      %dma_start3A_80 = arith.constant 0 : i32
      %dma_start3A_81 = tpu.memref_slice %arg3[%dma_start3A_79, %dma_start3A_80] : memref<4096x4096xf32, #tpu.memory_space<hbm>> -> memref<4096x4096xf32, #tpu.memory_space<hbm>>
      tpu.enqueue_indirect_dma source(%dma_start3A_81 : memref<4096x4096xf32, #tpu.memory_space<hbm>>) target(%arg9 : memref<4x4096xf32, #tpu.memory_space<vmem>>) offsets(%dma_start3A_78 : memref<4xi32, #tpu.memory_space<vmem>>) semaphore(%arg14 : memref<!tpu.dma_semaphore, #tpu.memory_space<semaphore_mem>>)
      %mul3A_82 = arith.constant 4 : i32
      %mul3A_83 = arith.muli %scan3A_53, %mul3A_82 : i32
      %add3A_84 = arith.constant 1 : i32
      %add3A_85 = arith.addi %mul3A_83, %add3A_84 : i32
      %dma_wait3A_86 = arith.constant 0 : i32
      %dma_wait3A_87 = arith.constant 0 : i32
      %dma_wait3A_88 = tpu.memref_slice %arg5[%dma_wait3A_86, %dma_wait3A_87] : memref<128x4xi32, #tpu.memory_space<vmem>> -> memref<1x4xi32, #tpu.memory_space<vmem>>
      %dma_wait3A_89 = tpu.memref_squeeze %dma_wait3A_88 : memref<1x4xi32, #tpu.memory_space<vmem>> -> memref<4xi32, #tpu.memory_space<vmem>>
      %dma_wait3A_90 = arith.constant 0 : i32
      %dma_wait3A_91 = arith.constant 0 : i32
      %dma_wait3A_92 = tpu.memref_slice %arg3[%dma_wait3A_90, %dma_wait3A_91] : memref<4096x4096xf32, #tpu.memory_space<hbm>> -> memref<4096x4096xf32, #tpu.memory_space<hbm>>
      tpu.wait_indirect_dma semaphore(%arg12 : memref<!tpu.dma_semaphore, #tpu.memory_space<semaphore_mem>>) src(%dma_wait3A_92 : memref<4096x4096xf32, #tpu.memory_space<hbm>>) dst(%arg7 : memref<4x4096xf32, #tpu.memory_space<vmem>>)
      %ge3A = arith.constant 4 : i32
      %ge3A_93 = arith.cmpi sge, %add3A_85, %ge3A : i32
      %convert_element_type3A_94 = arith.extui %ge3A_93 : i1 to i32
      %cond3A_95 = arith.constant 0 : i32
      %cond3A_96 = arith.cmpi ne, %convert_element_type3A_94, %cond3A_95 : i32
      scf.if %cond3A_96 {
        %add3A_196 = arith.constant 0 : i32
        %add3A_197 = arith.addi %mul3A_2, %add3A_196 : i32
        %dma_wait3A_198 = arith.constant 0 : i32
        %dma_wait3A_199 = arith.constant 0 : i32
        %dma_wait3A_200 = tpu.memref_slice %arg4[%add3A_197, %dma_wait3A_199] : memref<16384x4096xf32, #tpu.memory_space<hbm>> -> memref<4x4096xf32, #tpu.memory_space<hbm>>
        %dma_wait3A_201 = arith.constant 0 : i32
        %dma_wait3A_202 = arith.constant 0 : i32
        %dma_wait3A_203 = tpu.memref_slice %arg10[%arg1, %dma_wait3A_198, %dma_wait3A_201, %dma_wait3A_202] : memref<16x2x4x4096xf32, #tpu.memory_space<vmem_shared>> -> memref<1x1x4x4096xf32, #tpu.memory_space<vmem_shared>>
        %dma_wait3A_204 = tpu.memref_squeeze %dma_wait3A_203 : memref<1x1x4x4096xf32, #tpu.memory_space<vmem_shared>> -> memref<4x4096xf32, #tpu.memory_space<vmem_shared>>
        tpu.wait_dma2 semaphore(%arg20 : memref<!tpu.dma_semaphore, #tpu.memory_space<semaphore_mem>>) src(%dma_wait3A_204 : memref<4x4096xf32, #tpu.memory_space<vmem_shared>>) dst(%dma_wait3A_200 : memref<4x4096xf32, #tpu.memory_space<hbm>>)
      } else {
      }
      %dma_start3A_97 = arith.constant 0 : i32
      %dma_start3A_98 = arith.constant 0 : i32
      %dma_start3A_99 = arith.constant 0 : i32
      %dma_start3A_100 = tpu.memref_slice %arg10[%arg1, %dma_start3A_97, %dma_start3A_98, %dma_start3A_99] : memref<16x2x4x4096xf32, #tpu.memory_space<vmem_shared>> -> memref<1x1x4x4096xf32, #tpu.memory_space<vmem_shared>>
      %dma_start3A_101 = tpu.memref_squeeze %dma_start3A_100 : memref<1x1x4x4096xf32, #tpu.memory_space<vmem_shared>> -> memref<4x4096xf32, #tpu.memory_space<vmem_shared>>
      %dma_start3A_102 = arith.constant 0 : i32
      %dma_start3A_103 = arith.constant 0 : i32
      %dma_start3A_104 = tpu.memref_slice %arg10[%arg1, %dma_start3A_97, %dma_start3A_102, %dma_start3A_103] : memref<16x2x4x4096xf32, #tpu.memory_space<vmem_shared>> -> memref<1x1x4x4096xf32, #tpu.memory_space<vmem_shared>>
      %dma_start3A_105 = tpu.memref_squeeze %dma_start3A_104 : memref<1x1x4x4096xf32, #tpu.memory_space<vmem_shared>> -> memref<4x4096xf32, #tpu.memory_space<vmem_shared>>
      tpu.enqueue_dma source(%arg7 : memref<4x4096xf32, #tpu.memory_space<vmem>>) target(%dma_start3A_105 : memref<4x4096xf32, #tpu.memory_space<vmem_shared>>) target_semaphore(%arg16 : memref<!tpu.dma_semaphore, #tpu.memory_space<semaphore_mem>>)
      %sub3A = arith.constant 1 : i32
      %sub3A_106 = arith.subi %add3A_85, %sub3A : i32
      %dma_wait3A_107 = arith.constant 0 : i32
      %dma_wait3A_108 = tpu.memref_slice %arg4[%mul3A_2, %dma_wait3A_107] : memref<16384x4096xf32, #tpu.memory_space<hbm>> -> memref<4x4096xf32, #tpu.memory_space<hbm>>
      %dma_wait3A_109 = arith.constant 0 : i32
      %dma_wait3A_110 = tpu.memref_slice %arg4[%mul3A_2, %dma_wait3A_109] : memref<16384x4096xf32, #tpu.memory_space<hbm>> -> memref<4x4096xf32, #tpu.memory_space<hbm>>
      tpu.wait_dma2 semaphore(%arg15 : memref<!tpu.dma_semaphore, #tpu.memory_space<semaphore_mem>>) src(%arg6 : memref<4x4096xf32, #tpu.memory_space<vmem>>) dst(%dma_wait3A_110 : memref<4x4096xf32, #tpu.memory_space<hbm>>)
      %add3A_111 = arith.constant 3 : i32
      %add3A_112 = arith.addi %add3A_85, %add3A_111 : i32
      %lt3A = arith.constant 128 : i32
      %lt3A_113 = arith.cmpi slt, %add3A_112, %lt3A : i32
      %convert_element_type3A_114 = arith.extui %lt3A_113 : i1 to i32
      %cond3A_115 = arith.constant 0 : i32
      %cond3A_116 = arith.cmpi ne, %convert_element_type3A_114, %cond3A_115 : i32
      scf.if %cond3A_116 {
        %dma_start3A_196 = arith.constant 0 : i32
        %dma_start3A_197 = tpu.memref_slice %arg5[%add3A_112, %dma_start3A_196] : memref<128x4xi32, #tpu.memory_space<vmem>> -> memref<1x4xi32, #tpu.memory_space<vmem>>
        %dma_start3A_198 = tpu.memref_squeeze %dma_start3A_197 : memref<1x4xi32, #tpu.memory_space<vmem>> -> memref<4xi32, #tpu.memory_space<vmem>>
        %dma_start3A_199 = arith.constant 0 : i32
        %dma_start3A_200 = arith.constant 0 : i32
        %dma_start3A_201 = tpu.memref_slice %arg3[%dma_start3A_199, %dma_start3A_200] : memref<4096x4096xf32, #tpu.memory_space<hbm>> -> memref<4096x4096xf32, #tpu.memory_space<hbm>>
        tpu.enqueue_indirect_dma source(%dma_start3A_201 : memref<4096x4096xf32, #tpu.memory_space<hbm>>) target(%arg6 : memref<4x4096xf32, #tpu.memory_space<vmem>>) offsets(%dma_start3A_198 : memref<4xi32, #tpu.memory_space<vmem>>) semaphore(%arg11 : memref<!tpu.dma_semaphore, #tpu.memory_space<semaphore_mem>>)
      } else {
      }
      %mul3A_117 = arith.constant 4 : i32
      %mul3A_118 = arith.muli %scan3A_53, %mul3A_117 : i32
      %add3A_119 = arith.constant 2 : i32
      %add3A_120 = arith.addi %mul3A_118, %add3A_119 : i32
      %dma_wait3A_121 = arith.constant 0 : i32
      %dma_wait3A_122 = arith.constant 0 : i32
      %dma_wait3A_123 = tpu.memref_slice %arg5[%dma_wait3A_121, %dma_wait3A_122] : memref<128x4xi32, #tpu.memory_space<vmem>> -> memref<1x4xi32, #tpu.memory_space<vmem>>
      %dma_wait3A_124 = tpu.memref_squeeze %dma_wait3A_123 : memref<1x4xi32, #tpu.memory_space<vmem>> -> memref<4xi32, #tpu.memory_space<vmem>>
      %dma_wait3A_125 = arith.constant 0 : i32
      %dma_wait3A_126 = arith.constant 0 : i32
      %dma_wait3A_127 = tpu.memref_slice %arg3[%dma_wait3A_125, %dma_wait3A_126] : memref<4096x4096xf32, #tpu.memory_space<hbm>> -> memref<4096x4096xf32, #tpu.memory_space<hbm>>
      tpu.wait_indirect_dma semaphore(%arg13 : memref<!tpu.dma_semaphore, #tpu.memory_space<semaphore_mem>>) src(%dma_wait3A_127 : memref<4096x4096xf32, #tpu.memory_space<hbm>>) dst(%arg8 : memref<4x4096xf32, #tpu.memory_space<vmem>>)
      %mul3A_128 = arith.constant 4 : i32
      %mul3A_129 = arith.muli %add3A_120, %mul3A_128 : i32
      %add3A_130 = arith.addi %mul3A_2, %mul3A_129 : i32
      %dma_start3A_131 = arith.constant 0 : i32
      %dma_start3A_132 = tpu.memref_slice %arg4[%add3A_130, %dma_start3A_131] : memref<16384x4096xf32, #tpu.memory_space<hbm>> -> memref<4x4096xf32, #tpu.memory_space<hbm>>
      %dma_start3A_133 = arith.constant 0 : i32
      %dma_start3A_134 = tpu.memref_slice %arg4[%add3A_130, %dma_start3A_133] : memref<16384x4096xf32, #tpu.memory_space<hbm>> -> memref<4x4096xf32, #tpu.memory_space<hbm>>
      tpu.enqueue_dma source(%arg8 : memref<4x4096xf32, #tpu.memory_space<vmem>>) target(%dma_start3A_134 : memref<4x4096xf32, #tpu.memory_space<hbm>>) target_semaphore(%arg17 : memref<!tpu.dma_semaphore, #tpu.memory_space<semaphore_mem>>)
      %sub3A_135 = arith.constant 1 : i32
      %sub3A_136 = arith.subi %add3A_120, %sub3A_135 : i32
      %dma_wait3A_137 = arith.constant 0 : i32
      %dma_wait3A_138 = tpu.memref_slice %arg4[%mul3A_2, %dma_wait3A_137] : memref<16384x4096xf32, #tpu.memory_space<hbm>> -> memref<4x4096xf32, #tpu.memory_space<hbm>>
      %dma_wait3A_139 = arith.constant 0 : i32
      %dma_wait3A_140 = tpu.memref_slice %arg4[%mul3A_2, %dma_wait3A_139] : memref<16384x4096xf32, #tpu.memory_space<hbm>> -> memref<4x4096xf32, #tpu.memory_space<hbm>>
      tpu.wait_dma2 semaphore(%arg16 : memref<!tpu.dma_semaphore, #tpu.memory_space<semaphore_mem>>) src(%arg7 : memref<4x4096xf32, #tpu.memory_space<vmem>>) dst(%dma_wait3A_140 : memref<4x4096xf32, #tpu.memory_space<hbm>>)
      %mul3A_141 = arith.constant 4 : i32
      %mul3A_142 = arith.muli %sub3A_136, %mul3A_141 : i32
      %add3A_143 = arith.addi %mul3A_2, %mul3A_142 : i32
      %dma_start3A_144 = arith.constant 0 : i32
      %dma_start3A_145 = arith.constant 0 : i32
      %dma_start3A_146 = tpu.memref_slice %arg4[%add3A_143, %dma_start3A_145] : memref<16384x4096xf32, #tpu.memory_space<hbm>> -> memref<4x4096xf32, #tpu.memory_space<hbm>>
      %dma_start3A_147 = arith.constant 0 : i32
      %dma_start3A_148 = arith.constant 0 : i32
      %dma_start3A_149 = tpu.memref_slice %arg10[%arg1, %dma_start3A_144, %dma_start3A_147, %dma_start3A_148] : memref<16x2x4x4096xf32, #tpu.memory_space<vmem_shared>> -> memref<1x1x4x4096xf32, #tpu.memory_space<vmem_shared>>
      %dma_start3A_150 = tpu.memref_squeeze %dma_start3A_149 : memref<1x1x4x4096xf32, #tpu.memory_space<vmem_shared>> -> memref<4x4096xf32, #tpu.memory_space<vmem_shared>>
      tpu.enqueue_dma source(%dma_start3A_150 : memref<4x4096xf32, #tpu.memory_space<vmem_shared>>) target(%dma_start3A_146 : memref<4x4096xf32, #tpu.memory_space<hbm>>) target_semaphore(%arg20 : memref<!tpu.dma_semaphore, #tpu.memory_space<semaphore_mem>>)
      %add3A_151 = arith.constant 3 : i32
      %add3A_152 = arith.addi %add3A_120, %add3A_151 : i32
      %lt3A_153 = arith.constant 128 : i32
      %lt3A_154 = arith.cmpi slt, %add3A_152, %lt3A_153 : i32
      %convert_element_type3A_155 = arith.extui %lt3A_154 : i1 to i32
      %cond3A_156 = arith.constant 0 : i32
      %cond3A_157 = arith.cmpi ne, %convert_element_type3A_155, %cond3A_156 : i32
      scf.if %cond3A_157 {
        %dma_start3A_196 = arith.constant 0 : i32
        %dma_start3A_197 = tpu.memref_slice %arg5[%add3A_152, %dma_start3A_196] : memref<128x4xi32, #tpu.memory_space<vmem>> -> memref<1x4xi32, #tpu.memory_space<vmem>>
        %dma_start3A_198 = tpu.memref_squeeze %dma_start3A_197 : memref<1x4xi32, #tpu.memory_space<vmem>> -> memref<4xi32, #tpu.memory_space<vmem>>
        %dma_start3A_199 = arith.constant 0 : i32
        %dma_start3A_200 = arith.constant 0 : i32
        %dma_start3A_201 = tpu.memref_slice %arg3[%dma_start3A_199, %dma_start3A_200] : memref<4096x4096xf32, #tpu.memory_space<hbm>> -> memref<4096x4096xf32, #tpu.memory_space<hbm>>
        tpu.enqueue_indirect_dma source(%dma_start3A_201 : memref<4096x4096xf32, #tpu.memory_space<hbm>>) target(%arg7 : memref<4x4096xf32, #tpu.memory_space<vmem>>) offsets(%dma_start3A_198 : memref<4xi32, #tpu.memory_space<vmem>>) semaphore(%arg12 : memref<!tpu.dma_semaphore, #tpu.memory_space<semaphore_mem>>)
      } else {
      }
      %mul3A_158 = arith.constant 4 : i32
      %mul3A_159 = arith.muli %scan3A_53, %mul3A_158 : i32
      %add3A_160 = arith.constant 3 : i32
      %add3A_161 = arith.addi %mul3A_159, %add3A_160 : i32
      %dma_wait3A_162 = arith.constant 0 : i32
      %dma_wait3A_163 = arith.constant 0 : i32
      %dma_wait3A_164 = tpu.memref_slice %arg5[%dma_wait3A_162, %dma_wait3A_163] : memref<128x4xi32, #tpu.memory_space<vmem>> -> memref<1x4xi32, #tpu.memory_space<vmem>>
      %dma_wait3A_165 = tpu.memref_squeeze %dma_wait3A_164 : memref<1x4xi32, #tpu.memory_space<vmem>> -> memref<4xi32, #tpu.memory_space<vmem>>
      %dma_wait3A_166 = arith.constant 0 : i32
      %dma_wait3A_167 = arith.constant 0 : i32
      %dma_wait3A_168 = tpu.memref_slice %arg3[%dma_wait3A_166, %dma_wait3A_167] : memref<4096x4096xf32, #tpu.memory_space<hbm>> -> memref<4096x4096xf32, #tpu.memory_space<hbm>>
      tpu.wait_indirect_dma semaphore(%arg14 : memref<!tpu.dma_semaphore, #tpu.memory_space<semaphore_mem>>) src(%dma_wait3A_168 : memref<4096x4096xf32, #tpu.memory_space<hbm>>) dst(%arg9 : memref<4x4096xf32, #tpu.memory_space<vmem>>)
      %ge3A_169 = arith.constant 4 : i32
      %ge3A_170 = arith.cmpi sge, %add3A_161, %ge3A_169 : i32
      %convert_element_type3A_171 = arith.extui %ge3A_170 : i1 to i32
      %cond3A_172 = arith.constant 0 : i32
      %cond3A_173 = arith.cmpi ne, %convert_element_type3A_171, %cond3A_172 : i32
      scf.if %cond3A_173 {
        %add3A_196 = arith.constant 0 : i32
        %add3A_197 = arith.addi %mul3A_2, %add3A_196 : i32
        %dma_wait3A_198 = arith.constant 1 : i32
        %dma_wait3A_199 = arith.constant 0 : i32
        %dma_wait3A_200 = tpu.memref_slice %arg4[%add3A_197, %dma_wait3A_199] : memref<16384x4096xf32, #tpu.memory_space<hbm>> -> memref<4x4096xf32, #tpu.memory_space<hbm>>
        %dma_wait3A_201 = arith.constant 0 : i32
        %dma_wait3A_202 = arith.constant 0 : i32
        %dma_wait3A_203 = tpu.memref_slice %arg10[%arg1, %dma_wait3A_198, %dma_wait3A_201, %dma_wait3A_202] : memref<16x2x4x4096xf32, #tpu.memory_space<vmem_shared>> -> memref<1x1x4x4096xf32, #tpu.memory_space<vmem_shared>>
        %dma_wait3A_204 = tpu.memref_squeeze %dma_wait3A_203 : memref<1x1x4x4096xf32, #tpu.memory_space<vmem_shared>> -> memref<4x4096xf32, #tpu.memory_space<vmem_shared>>
        tpu.wait_dma2 semaphore(%arg22 : memref<!tpu.dma_semaphore, #tpu.memory_space<semaphore_mem>>) src(%dma_wait3A_204 : memref<4x4096xf32, #tpu.memory_space<vmem_shared>>) dst(%dma_wait3A_200 : memref<4x4096xf32, #tpu.memory_space<hbm>>)
      } else {
      }
      %dma_start3A_174 = arith.constant 1 : i32
      %dma_start3A_175 = arith.constant 0 : i32
      %dma_start3A_176 = arith.constant 0 : i32
      %dma_start3A_177 = tpu.memref_slice %arg10[%arg1, %dma_start3A_174, %dma_start3A_175, %dma_start3A_176] : memref<16x2x4x4096xf32, #tpu.memory_space<vmem_shared>> -> memref<1x1x4x4096xf32, #tpu.memory_space<vmem_shared>>
      %dma_start3A_178 = tpu.memref_squeeze %dma_start3A_177 : memref<1x1x4x4096xf32, #tpu.memory_space<vmem_shared>> -> memref<4x4096xf32, #tpu.memory_space<vmem_shared>>
      %dma_start3A_179 = arith.constant 0 : i32
      %dma_start3A_180 = arith.constant 0 : i32
      %dma_start3A_181 = tpu.memref_slice %arg10[%arg1, %dma_start3A_174, %dma_start3A_179, %dma_start3A_180] : memref<16x2x4x4096xf32, #tpu.memory_space<vmem_shared>> -> memref<1x1x4x4096xf32, #tpu.memory_space<vmem_shared>>
      %dma_start3A_182 = tpu.memref_squeeze %dma_start3A_181 : memref<1x1x4x4096xf32, #tpu.memory_space<vmem_shared>> -> memref<4x4096xf32, #tpu.memory_space<vmem_shared>>
      tpu.enqueue_dma source(%arg9 : memref<4x4096xf32, #tpu.memory_space<vmem>>) target(%dma_start3A_182 : memref<4x4096xf32, #tpu.memory_space<vmem_shared>>) target_semaphore(%arg18 : memref<!tpu.dma_semaphore, #tpu.memory_space<semaphore_mem>>)
      %sub3A_183 = arith.constant 1 : i32
      %sub3A_184 = arith.subi %add3A_161, %sub3A_183 : i32
      %dma_wait3A_185 = arith.constant 0 : i32
      %dma_wait3A_186 = tpu.memref_slice %arg4[%mul3A_2, %dma_wait3A_185] : memref<16384x4096xf32, #tpu.memory_space<hbm>> -> memref<4x4096xf32, #tpu.memory_space<hbm>>
      %dma_wait3A_187 = arith.constant 0 : i32
      %dma_wait3A_188 = tpu.memref_slice %arg4[%mul3A_2, %dma_wait3A_187] : memref<16384x4096xf32, #tpu.memory_space<hbm>> -> memref<4x4096xf32, #tpu.memory_space<hbm>>
      tpu.wait_dma2 semaphore(%arg17 : memref<!tpu.dma_semaphore, #tpu.memory_space<semaphore_mem>>) src(%arg8 : memref<4x4096xf32, #tpu.memory_space<vmem>>) dst(%dma_wait3A_188 : memref<4x4096xf32, #tpu.memory_space<hbm>>)
      %add3A_189 = arith.constant 3 : i32
      %add3A_190 = arith.addi %add3A_161, %add3A_189 : i32
      %lt3A_191 = arith.constant 128 : i32
      %lt3A_192 = arith.cmpi slt, %add3A_190, %lt3A_191 : i32
      %convert_element_type3A_193 = arith.extui %lt3A_192 : i1 to i32
      %cond3A_194 = arith.constant 0 : i32
      %cond3A_195 = arith.cmpi ne, %convert_element_type3A_193, %cond3A_194 : i32
      scf.if %cond3A_195 {
        %dma_start3A_196 = arith.constant 0 : i32
        %dma_start3A_197 = tpu.memref_slice %arg5[%add3A_190, %dma_start3A_196] : memref<128x4xi32, #tpu.memory_space<vmem>> -> memref<1x4xi32, #tpu.memory_space<vmem>>
        %dma_start3A_198 = tpu.memref_squeeze %dma_start3A_197 : memref<1x4xi32, #tpu.memory_space<vmem>> -> memref<4xi32, #tpu.memory_space<vmem>>
        %dma_start3A_199 = arith.constant 0 : i32
        %dma_start3A_200 = arith.constant 0 : i32
        %dma_start3A_201 = tpu.memref_slice %arg3[%dma_start3A_199, %dma_start3A_200] : memref<4096x4096xf32, #tpu.memory_space<hbm>> -> memref<4096x4096xf32, #tpu.memory_space<hbm>>
        tpu.enqueue_indirect_dma source(%dma_start3A_201 : memref<4096x4096xf32, #tpu.memory_space<hbm>>) target(%arg8 : memref<4x4096xf32, #tpu.memory_space<vmem>>) offsets(%dma_start3A_198 : memref<4xi32, #tpu.memory_space<vmem>>) semaphore(%arg13 : memref<!tpu.dma_semaphore, #tpu.memory_space<semaphore_mem>>)
      } else {
      }
    }
    %scan3A_26 = arith.constant 32 : i32
    %dma_wait3A = arith.constant 0 : i32
    %dma_wait3A_27 = tpu.memref_slice %arg4[%mul3A_2, %dma_wait3A] : memref<16384x4096xf32, #tpu.memory_space<hbm>> -> memref<4x4096xf32, #tpu.memory_space<hbm>>
    %dma_wait3A_28 = arith.constant 0 : i32
    %dma_wait3A_29 = tpu.memref_slice %arg4[%mul3A_2, %dma_wait3A_28] : memref<16384x4096xf32, #tpu.memory_space<hbm>> -> memref<4x4096xf32, #tpu.memory_space<hbm>>
    tpu.wait_dma2 semaphore(%arg18 : memref<!tpu.dma_semaphore, #tpu.memory_space<semaphore_mem>>) src(%arg9 : memref<4x4096xf32, #tpu.memory_space<vmem>>) dst(%dma_wait3A_29 : memref<4x4096xf32, #tpu.memory_space<hbm>>)
    %add3A_30 = arith.constant 508 : i32
    %add3A_31 = arith.addi %mul3A_2, %add3A_30 : i32
    %dma_start3A_32 = arith.constant 1 : i32
    %dma_start3A_33 = arith.constant 0 : i32
    %dma_start3A_34 = tpu.memref_slice %arg4[%add3A_31, %dma_start3A_33] : memref<16384x4096xf32, #tpu.memory_space<hbm>> -> memref<4x4096xf32, #tpu.memory_space<hbm>>
    %dma_start3A_35 = arith.constant 0 : i32
    %dma_start3A_36 = arith.constant 0 : i32
    %dma_start3A_37 = tpu.memref_slice %arg10[%arg1, %dma_start3A_32, %dma_start3A_35, %dma_start3A_36] : memref<16x2x4x4096xf32, #tpu.memory_space<vmem_shared>> -> memref<1x1x4x4096xf32, #tpu.memory_space<vmem_shared>>
    %dma_start3A_38 = tpu.memref_squeeze %dma_start3A_37 : memref<1x1x4x4096xf32, #tpu.memory_space<vmem_shared>> -> memref<4x4096xf32, #tpu.memory_space<vmem_shared>>
    tpu.enqueue_dma source(%dma_start3A_38 : memref<4x4096xf32, #tpu.memory_space<vmem_shared>>) target(%dma_start3A_34 : memref<4x4096xf32, #tpu.memory_space<hbm>>) target_semaphore(%arg22 : memref<!tpu.dma_semaphore, #tpu.memory_space<semaphore_mem>>)
    %dma_wait3A_39 = arith.constant 0 : i32
    %dma_wait3A_40 = arith.constant 0 : i32
    %dma_wait3A_41 = tpu.memref_slice %arg4[%mul3A_2, %dma_wait3A_40] : memref<16384x4096xf32, #tpu.memory_space<hbm>> -> memref<4x4096xf32, #tpu.memory_space<hbm>>
    %dma_wait3A_42 = arith.constant 0 : i32
    %dma_wait3A_43 = arith.constant 0 : i32
    %dma_wait3A_44 = tpu.memref_slice %arg10[%arg1, %dma_wait3A_39, %dma_wait3A_42, %dma_wait3A_43] : memref<16x2x4x4096xf32, #tpu.memory_space<vmem_shared>> -> memref<1x1x4x4096xf32, #tpu.memory_space<vmem_shared>>
    %dma_wait3A_45 = tpu.memref_squeeze %dma_wait3A_44 : memref<1x1x4x4096xf32, #tpu.memory_space<vmem_shared>> -> memref<4x4096xf32, #tpu.memory_space<vmem_shared>>
    tpu.wait_dma2 semaphore(%arg20 : memref<!tpu.dma_semaphore, #tpu.memory_space<semaphore_mem>>) src(%dma_wait3A_45 : memref<4x4096xf32, #tpu.memory_space<vmem_shared>>) dst(%dma_wait3A_41 : memref<4x4096xf32, #tpu.memory_space<hbm>>)
    %dma_wait3A_46 = arith.constant 1 : i32
    %dma_wait3A_47 = arith.constant 0 : i32
    %dma_wait3A_48 = tpu.memref_slice %arg4[%mul3A_2, %dma_wait3A_47] : memref<16384x4096xf32, #tpu.memory_space<hbm>> -> memref<4x4096xf32, #tpu.memory_space<hbm>>
    %dma_wait3A_49 = arith.constant 0 : i32
    %dma_wait3A_50 = arith.constant 0 : i32
    %dma_wait3A_51 = tpu.memref_slice %arg10[%arg1, %dma_wait3A_46, %dma_wait3A_49, %dma_wait3A_50] : memref<16x2x4x4096xf32, #tpu.memory_space<vmem_shared>> -> memref<1x1x4x4096xf32, #tpu.memory_space<vmem_shared>>
    %dma_wait3A_52 = tpu.memref_squeeze %dma_wait3A_51 : memref<1x1x4x4096xf32, #tpu.memory_space<vmem_shared>> -> memref<4x4096xf32, #tpu.memory_space<vmem_shared>>
    tpu.wait_dma2 semaphore(%arg22 : memref<!tpu.dma_semaphore, #tpu.memory_space<semaphore_mem>>) src(%dma_wait3A_52 : memref<4x4096xf32, #tpu.memory_space<vmem_shared>>) dst(%dma_wait3A_48 : memref<4x4096xf32, #tpu.memory_space<hbm>>)
    return
  }
}

</mosaic_0001>

<sc_bundles>
// kernel: kernel.3.cloned.1.call-start
scs
__scs_entry_jumppad:
0x0: {  	(pc) =	sbr.rel $0x88, $3  }
0x1: {  	(tag) =	ssettag $0x0;
	lr =	simm.s32 $0x1  }
0x2: {  	[smem:$0x3F9F] =	sst lr;
	_ =	strace $0xD0000000  }
0x3: {  	_ = 	snop  }
0x4: {  	_ = 	snop  }
0x5: {  	_ = 	snop  }
0x6: {  	_ = 	snop  }
0x7: {  	_ = 	snop  }
__scs_overlays_trampoline_lowered:
0x8: {  	[smem:$0x3FAE] =	sst s0  }
0x9: {  	[smem:$0x3FAF] =	sst s1  }
0xa: {  	[smem:$0x3FB0] =	sst s2  }
0xb: {  	[smem:$0x3FB1] =	sst s3  }
0xc: {  	[smem:$0x3FB2] =	sst s4  }
0xd: {  	[smem:$0x3FB3] =	sst s5  }
0xe: {  	[smem:$0x3FB4] =	sst s6  }
0xf: {  	[smem:$0x3FB5] =	sst s7  }
0x10: {  	[smem:$0x3FB6] =	sst s8  }
0x11: {  	[smem:$0x3FB7] =	sst s9;
	s0 =	simm.s32 @!p0 $0x0  }
0x12: {  	s1 =	sld [smem:$0x3F9D];
	s0 =	simm.s32 @p0 $0x1  }
0x13: {  	[smem:$0x3FB8] =	sst s0;
	s0 =	simm.s32 @!p1 $0x0  }
0x14: {  	s2 =	sld [smem:$0x3F9C];
	s0 =	simm.s32 @p1 $0x1  }
0x15: {  	[smem:$0x3FB9] =	sst s0;
	s0 =	simm.s32 @!p2 $0x0  }
0x16: {  	s3 =	sld [smem:$0x3FDB];
	s0 =	simm.s32 @p2 $0x1  }
0x17: {  	s4 =	simm.s32 $0x1BF5;
	[smem:$0x3FBB] =	sst s0  }
0x18: {  	s0 =	sld [smem:$0x3F9E];
	_ =	swait.ge [sflag:s4], $0x0  }
0x19: {  	s7 =	sld [smem:$0x3F9F]  }
0x1a: {  	s8 =	sadd.s32 $0xFFFFE003, lr  }
0x1b: {  	s9 =	sadd.s32 $0xFFFFFEF7, lr;
	s5 =	simm.s32 $0xFFFFFFFF;
	p2 =	slt.u32 s8, $0xFFFFF086  }
0x1c: {  	p1 =	slt.u32 s9, $0xF7A;
	s5 =	simm.s32 @!p2 $0x0  }
0x1d: {  	s5 =	simm.s32 @p1 $0x1;
	p0 =	seq.s32 s7, s2  }
0x1e: {  	s7 =	smul.u32 @!p0 $0xF7A, s2;
	p2 =	seq.s32 @!p0 s5, $0x0  }
0x1f: {  	s9 =	smul.u32 $0xF7A, s1;
	s8 =	simm.s32 @!p0 $0x1BF5;
	p2 =	por !p2, p0  }
0x20: {  	[sflag:s8] =	ssyncset.s32 @!p0 $0xFFFFF086;
	s6 =	sadd.s32 @!p0 s3, s7;
	s7 =	simm.s32 @!p0 $0x108  }
0x21: {  	s3 =	sadd.s32 s3, s9;
	s6 =	sadd.s32 @!p0 $0x88, s6;
	s7 =	simm.s32 @p2 $0x1082  }
0x22: {  	[simem:s7], [sflag:s8] =	dma.local @!p0 [hbm:s6], $0xF7A  }
0x23: {  	s9 =	sor.u32 $0xD0000000, s2;
	s6 =	simm.s32 $0x108;
	_ =	swait.ge @!p0 [sflag:s8], $0x0  }
0x24: {  	s3 =	sadd.s32 $0x88, s3;
	s6 =	simm.s32 @!p1 $0x1082;
	[sflag:s4] =	ssyncset.s32 $0xFFFFF086  }
0x25: {  	[simem:s6], [sflag:s4] =	dma.local [hbm:s3], $0xF7A  }
0x26: {  	[smem:$0x3F9F] =	sst s1;
	(tag) =	ssettag s2;
	_ =	strace s9  }
0x27: {  	s1 =	sld [smem:$0x3FAF]  }
0x28: {  	s2 =	sld [smem:$0x3FB0]  }
0x29: {  	s4 =	sld [smem:$0x3FB2]  }
0x2a: {  	p0 =	seq.s32 s5, $0x0;
	s5 =	sld [smem:$0x3FB3]  }
0x2b: {  	s6 =	sld [smem:$0x3FB4]  }
0x2c: {  	s7 =	sld [smem:$0x3FB5]  }
0x2d: {  	s3 =	simm.s32 $0x108;
	s8 =	sld [smem:$0x3FB6]  }
0x2e: {  	s3 =	simm.s32 @!p0 $0x1082;
	s9 =	sld [smem:$0x3FB7]  }
0x2f: {  	lr =	sadd.s32 s0, s3;
	s0 =	sld [smem:$0x3FAE]  }
0x30: {  	s3 =	sld [smem:$0x3FB1]  }
0x31: {  	[smem:$0x3FBA] =	sst s10  }
0x32: {  	s10 =	sld [smem:$0x3FB8];
	_ =	sdelay $0x3  }
0x33: {  	p0 =	seq.s32 s10, $0x1;
	s10 =	sld [smem:$0x3FBA];
	_ =	sdelay $0x3  }
0x34: {  	[smem:$0x3FBA] =	sst s10  }
0x35: {  	s10 =	sld [smem:$0x3FB9];
	_ =	sdelay $0x3  }
0x36: {  	p1 =	seq.s32 s10, $0x1;
	s10 =	sld [smem:$0x3FBA];
	_ =	sdelay $0x3  }
0x37: {  	[smem:$0x3FBA] =	sst s10  }
0x38: {  	s10 =	sld [smem:$0x3FBB]  }
0x39: {  	_ = 	snop;
	(pc) =	sbr.ind lr, $3  }
0x3a: {  	_ = 	snop  }
0x3b: {  	_ = 	snop  }
0x3c: {  	p2 =	seq.s32 s10, $0x1;
	s10 =	sld [smem:$0x3FBA]  }
0x3d: {  	_ =	shalt  }
0x3e: {  	_ =	shalt  }
0x3f: {  	_ =	shalt  }
0x40: {  	_ =	shalt  }
0x41: {  	_ =	shalt  }
0x42: {  	_ =	shalt  }
0x43: {  	_ =	shalt  }
0x44: {  	_ =	shalt  }
0x45: {  	_ =	shalt  }
0x46: {  	_ =	shalt  }
0x47: {  	_ =	shalt  }
0x48: {  	_ =	shalt  }
0x49: {  	_ =	shalt  }
0x4a: {  	_ =	shalt  }
0x4b: {  	_ =	shalt  }
0x4c: {  	_ =	shalt  }
0x4d: {  	_ =	shalt  }
0x4e: {  	_ =	shalt  }
0x4f: {  	_ =	shalt  }
0x50: {  	_ =	shalt  }
0x51: {  	_ =	shalt  }
0x52: {  	_ =	shalt  }
0x53: {  	_ =	shalt  }
0x54: {  	_ =	shalt  }
0x55: {  	_ =	shalt  }
0x56: {  	_ =	shalt  }
0x57: {  	_ =	shalt  }
0x58: {  	_ =	shalt  }
0x59: {  	_ =	shalt  }
0x5a: {  	_ =	shalt  }
0x5b: {  	_ =	shalt  }
0x5c: {  	_ =	shalt  }
0x5d: {  	_ =	shalt  }
0x5e: {  	_ =	shalt  }
0x5f: {  	_ =	shalt  }
0x60: {  	_ =	shalt  }
0x61: {  	_ =	shalt  }
0x62: {  	_ =	shalt  }
0x63: {  	_ =	shalt  }
0x64: {  	_ =	shalt  }
0x65: {  	_ =	shalt  }
0x66: {  	_ =	shalt  }
0x67: {  	_ =	shalt  }
0x68: {  	_ =	shalt  }
0x69: {  	_ =	shalt  }
0x6a: {  	_ =	shalt  }
0x6b: {  	_ =	shalt  }
0x6c: {  	_ =	shalt  }
0x6d: {  	_ =	shalt  }
0x6e: {  	_ =	shalt  }
0x6f: {  	_ =	shalt  }
0x70: {  	_ =	shalt  }
0x71: {  	_ =	shalt  }
0x72: {  	_ =	shalt  }
0x73: {  	_ =	shalt  }
0x74: {  	_ =	shalt  }
0x75: {  	_ =	shalt  }
0x76: {  	_ =	shalt  }
0x77: {  	_ =	shalt  }
0x78: {  	_ =	shalt  }
0x79: {  	_ =	shalt  }
0x7a: {  	_ =	shalt  }
0x7b: {  	_ =	shalt  }
0x7c: {  	_ =	shalt  }
0x7d: {  	_ =	shalt  }
0x7e: {  	_ =	shalt  }
0x7f: {  	_ =	shalt  }
0x80: {  	_ =	shalt  }
0x81: {  	_ =	shalt  }
0x82: {  	_ =	shalt  }
0x83: {  	_ =	shalt  }
0x84: {  	_ =	shalt  }
0x85: {  	_ =	shalt  }
0x86: {  	_ =	shalt  }
0x87: {  	_ =	shalt  }
.Lfunc_end0:
.L_simem_size_0:
called_computation_lowered:
.L_overlay_start_0:
0x88: {  	s2 =	sld [smem:$0x3FD9]  }
0x89: {  	s3 =	sld [smem:$0x3FFE];
	_ =	sdelay $0x1  }
0x8a: {  	s1 =	srdreg.scid  }
0x8b: {  	s0 =	sand.u32 $0x1, s1  }
0x8c: {  	s17 =	sshll.u32 s0, $0xA;
	s2 =	sadd.s32 s3, s2  }
0x8d: {  	s2 =	sadd.s32 s2, s17  }
0x8e: {  	[smem:$0x3FC6] =	sst s2  }
0x8f: {  	_ = 	snop  }
0x90: {  	s2 =	sld [smem:$0x3FC8]  }
0x91: {  	s18 =	sld [smem:$0x3FD0];
	(tm) =	ssettm $0x1  }
0x92: {  	s4 =	sld [smem:$0x3FFB];
	_ =	sdelay $0x3  }
0x93: {  	_ =	strace s4  }
0x94: {  	s4 =	sld [smem:$0x3FFC];
	_ =	sdelay $0x3  }
0x95: {  	_ =	strace s4  }
0x96: {  	s4 =	sld [smem:$0x3FFD];
	_ =	sdelay $0x3  }
0x97: {  	_ =	strace s4  }
0x98: {  	_ =	strace $0x8FFFFFFF  }
0x99: {  	s19 =	sld [smem:$0x3FDB];
	_ =	sdelay $0x1  }
0x9a: {  	s5 =	simm.s32 $_scs_section_size  }
0x9b: {  	s6 =	simm.s32 $_size__tile_overlayer_lowered;
	s7 =	simm.s32 $_tile_overlayer_lowered  }
0x9c: {  	s22 =	simm.s32 $0x1BFF;
	s21 =	sshll.u32 s7, $0x1;
	s4 =	sadd.s32 s5, s19  }
0x9d: {  	s8 =	simm.s32 $0x0;
	s20 =	sshll.u32 s6, $0x1;
	s6 =	sadd.s32 s21, s4  }
0x9e: {  	[timem:s8], [sflag:s22] =	dma.local [hbm:s6], s20  }
0x9f: {  	_ =	swait.ge [sflag:s22], s20  }
0xa0: {  	s5 =	ssub.s32 $0x0, s20;
	[sflag:s22] =	ssyncset.done $0x0  }
0xa1: {  	[sflag:s22] =	ssyncadd.s32 s5;
	_ =	sdelay $0x1  }
0xa2: {  	s23 =	simm.s32 $0x1B8B  }
0xa3: {  	_ =	swait.ge [sflag:s23], $0x1  }
0xa4: {  	[sflag:s23] =	ssyncset.done $0x0  }
0xa5: {  	s25 =	simm.s32 $0x1B8E;
	s24 =	sld [smem:$0x3FFE];
	[sflag:s23] =	ssyncadd.s32 $0xFFFFFFFF  }
0xa6: {  	s26 =	simm.s32 $execute0_lowered;
	[smem:$0x3FD2] =	sst s25  }
0xa7: {  	s6 =	sshll.u32 s26, $0x1;
	_ =	strace $0x80000046;
	[dreg:$0x1] =	wrdreg $0xFFFFFFFF  }
0xa8: {  	s28 =	simm.s32 $_size_execute0_lowered;
	s4 =	sadd.s32 s4, s6;
	[dreg:$0x0] =	wrdreg $0x0  }
0xa9: {  	s6 =	sshll.u32 s28, $0x1;
	[dreg:$0x2] =	wrdreg s4  }
0xaa: {  	[dreg:$0x3] =	wrdreg s6  }
0xab: {  	[dreg:$0x4] =	wrdreg $0xC0  }
0xac: {  	_ =	task [dreg:s8], $0x5FFFF  }
0xad: {  	[dreg:$0x1] =	wrdreg $0xFFFFFFFF  }
0xae: {  	[dreg:$0x0] =	wrdreg $0x60  }
0xaf: {  	[dreg:$0x2] =	wrdreg s24  }
0xb0: {  	[dreg:$0x3] =	wrdreg s2  }
0xb1: {  	[dreg:$0x4] =	wrdreg s18  }
0xb2: {  	[dreg:$0x5] =	wrdreg $0x140000  }
0xb3: {  	[dreg:$0x6] =	wrdreg $0x9  }
0xb4: {  	_ =	task.clear_ibuf [dreg:s8], $0x7FFFF;
	_ =	strace $0x90000046  }
0xb5: {  	s29 =	simm.s32 $0x9;
	_ =	strace $0x80000048  }
0xb6: {  	_ =	swait.ge [sflag:s29], $0x1  }
0xb7: {  	[sflag:s29] =	ssyncadd.s32 $0xFFFFFFFF  }
0xb8: {  	_ =	strace $0x90000048  }
0xb9: {  	_ =	sfence  }
0xba: {  	s30 =	sld [smem:$0x0];
	_ =	sdelay $0x2  }
0xbb: {  	s31 =	sshll.u32 s1, $0xD;
	s1 =	sshrl.u32 s1, $0x2  }
0xbc: {  	s3 =	sand.u32 $0x4000, s31;
	s1 =	sadd.s32 s1, s30  }
0xbd: {  	s0 =	sor.u32 s3, s0;
	s1 =	sshll.u32 s1, $0x11  }
0xbe: {  	s0 =	sor.u32 s1, s0  }
0xbf: {  	s0 =	sadd.s32 $0x8F2B, s0  }
0xc0: {  	[sflag:s0] =	ssyncadd.remote.s32 $0x1  }
0xc1: {  	_ =	sfence.sel $0xFFFF  }
0xc2: {  	[dreg:$0x0] =	wrdreg $0xFFFFFFFF;
	(pc) =	sbr.abs _section_cstart, $3  }
0xc3: {  	[dreg:$0x1] =	wrdreg $0xFFFFFFFF  }
0xc4: {  	_ =	task.clear_ibuf [dreg:s8], $0x2FFFF;
	_ =	strace $0x9FFFFFFF  }
0xc5: {  	(tm) =	ssettm $0x7FFFFFFF  }
tec
execute0_lowered:
.L_overlay_start_1:
0x0: {  	(tag) =	ssettag $0x1  }
0x1: {  	s0 =	rddreg [dreg:$0x0]  }
0x2: {  	s2 =	rddreg [dreg:$0x1]  }
0x3: {  	s4 =	rddreg [dreg:$0x2]  }
0x4: {  	s10 =	rddreg [dreg:$0x3]  }
0x5: {  	s3 =	srdreg.scid;
	s1 =	stileid.u32  }
0x6: {  	s31 =	simm.s32 $0x1;
	s19 =	simm.s32 $0x5;
	s30 =	simm.s32 $0x3  }
0x7: {  	s14 =	simm.s32 $0x0;
	s28 =	simm.s32 $0x400;
	s15 =	sand.u32 $0x1, s3  }
0x8: {  	s5 =	sshll.u32 s1, $0x1;
	s3 =	simm.s32 $0x0;
	s21 =	sshll.u32 s1, $0xF  }
0x9: {  	s9 =	sadd.s32 $0xA00, s2;
	s11 =	sadd.s32 $0xC00, s2;
	s12 =	sadd.s32 $0xE00, s2  }
0xa: {  	s22 =	sadd.s32 $0x40, s4;
	s18 =	sshll.u32 s1, $0x13;
	s1 =	simm.s32 $0xC000  }
0xb: {  	s5 =	sor.u32 s15, s5;
	s6 =	ssub.s32 $0x2, s15;
	[smem:$0x7FF] =	sst s3  }
0xc: {  	s10 =	sadd.s32 s21, s10;
	s24 =	sadd.s32 s18, s4;
	s25 =	sshll.u32 s15, $0x12  }
0xd: {  	s7 =	sshll.u32 s5, $0xB;
	s8 =	sshrl.u32 s6, $0x1;
	_ =	strace $0x80000047  }
0xe: {  	s17 =	sshll.u32 s5, $0x12;
	s5 =	sadd.s32 $0x200, s2;
	s13 =	sadd.s32 $0x4000, s10  }
0xf: {  	[dreg:$0x6] =	wrdreg s22;
	s29 =	sor.u32 s25, s18;
	s22 =	simm.s32 $0x200  }
0x10: {  	s0 =	sadd.s32 s7, s0;
	s16 =	ssub.s32 s6, s8;
	s6 =	sadd.s32 $0x400, s2  }
0x11: {  	s7 =	sadd.s32 $0x600, s2;
	s8 =	sadd.s32 $0x800, s2;
	s23 =	sadd.s32 s17, s4  }
.Ltmp0:
0x12: {  	[dreg:$0xa] =	wrdreg s29;
	s0 =	sadd.s32 $0x400, s0;
	(pc) =	sbr.rel .LBB2_1-.Ltmp0, $4  }
0x13: {  	s4 =	simm.s32 $0x7;
	s26 =	smax.u32 s16, $0x1;
	[dreg:$0x5] =	wrdreg s0  }
0x14: {  	v0 =	vlaneseq.u32;
	s16 =	simm.s32 $0x2;
	s0 =	sadd.s32 $0x3F040, s23;
	[dreg:$0x8] =	wrdreg s26  }
0x15: {  	v1 =	vshrl.u32 v0, $0x2;
	s23 =	simm.s32 $0x6;
	[dreg:$0x7] =	wrdreg s0;
	s0 =	sadd.s32 s25, s24  }
0x16: {  	vm0 =	vmmov $0xffff;
	v0 =	vand.u32 $0x3, v0;
	v1 =	vmul.u32 $0x8, v1;
	s25 =	simm.s32 $0x8000;
	s24 =	simm.s32 $0x4;
	[dreg:$0x9] =	wrdreg s0  }
.LBB2_8:
0x17: {  	s0 =	simm.s32 $0x8  }
0x18: {  	s1 =	sor.u32 $0x1C0A, s29;
	s14 =	sshrl.u32 s13, $0x3;
	_ =	swait.ge [sflag:s0], $0x4000  }
0x19: {  	s15 =	simm.s32 $0x80;
	s17 =	simm.s32 $0x40;
	[sflag:s0] =	ssyncset.done $0x0  }
0x1a: {  	s20 =	simm.s32 $0x9;
	s29 =	rddreg [dreg:$0x7];
	[sflag:s0] =	ssyncadd.s32 $0xFFFFC000  }
0x1b: {  	[hbm:s29@s15], [sflag:s1] =	dma.strided [spmem:s14@s17], $0x800, s24, $0x10   }
0x1c: {  	_ =	swait.ge [sflag:s20], $0x800  }
0x1d: {  	[sflag:s20] =	ssyncset.done $0x0  }
0x1e: {  	s21 =	simm.s32 $0xA;
	[sflag:s20] =	ssyncadd.s32 $0xFFFFF800  }
0x1f: {  	_ =	swait.ge [sflag:s21], $0x800  }
0x20: {  	s26 =	rddreg [dreg:$0xb]  }
0x21: {  	s29 =	rddreg [dreg:$0x8];
	s14 =	sadd.s32 $0x1, s26  }
0x22: {  	p0 =	sne.s32 s14, s29  }
.Ltmp1:
0x23: {  	_ = 	snop;
	(pc) =	sbr.rel @!p0 .LBB2_9-.Ltmp1, $3  }
0x24: {  	_ =	sdelay $0x1  }
0x25: {  	[sflag:s21] =	ssyncset.done $0x0  }
0x26: {  	s1 =	simm.s32 $0xC000;
	[sflag:s21] =	ssyncadd.s32 $0xFFFFF800  }
.LBB2_1:
0x27: {  	[dreg:$0xb] =	wrdreg s14  }
0x28: {  	s0 =	rddreg [dreg:$0x5];
	s18 =	simm.s32 $0xB  }
0x29: {  	[tilespmem:s3], [sflag:$0xB] =	stream.linear.gather [hbm4b:s0+s3], $0x4000, $0x38;
	[tilespmem:$0x1C000] =	vst v63  }
0x2a: {  	_ =	swait.ge [sflag:s18], $0x4000  }
0x2b: {  	[sflag:s18] =	ssyncset.done $0x0  }
0x2c: {  	[sflag:s18] =	ssyncadd.s32 $0xFFFFC000  }
0x2d: {  	v2 =	vld.msk [tilespmem:$0x0], $0xf;
	_ =	sdelay $0x4  }
0x2e: {  	v3 =	vshll.u32 v2, $0x5  }
0x2f: {  	v2 =	vand.u32 $0x7, v2;
	v3 =	vand.u32 $0xFFFFFF00, v3  }
0x30: {  	v2 =	vor.u32 v2, v3  }
0x31: {  	v2 =	vperm.xlane v2, v0;
	_ =	sdelay $0x1  }
0x32: {  	v2 =	vadd.s32 v1, v2;
	_ =	sdelay $0x3  }
0x33: {  	s20 =	simm.s32 $0x4000  }
0x34: {  	[tilespmem:s20], [sflag:$0x1] =	stream.indirect_vreg.gather [hbm4b:s2+s3], $0x80, v2, vm0, $0xb8;
	[tilespmem:$0x1C000] =	vst v63  }
0x35: {  	s21 =	simm.s32 $0x4800  }
0x36: {  	[tilespmem:s21], [sflag:$0x1] =	stream.indirect_vreg.gather [hbm4b:s5+s3], $0x80, v2, vm0, $0xb8;
	[tilespmem:$0x1C000] =	vst v63  }
0x37: {  	s26 =	simm.s32 $0x5000  }
0x38: {  	[tilespmem:s26], [sflag:$0x1] =	stream.indirect_vreg.gather [hbm4b:s6+s3], $0x80, v2, vm0, $0xb8;
	[tilespmem:$0x1C000] =	vst v63  }
0x39: {  	s29 =	simm.s32 $0x5800  }
0x3a: {  	[tilespmem:s29], [sflag:$0x1] =	stream.indirect_vreg.gather [hbm4b:s7+s3], $0x80, v2, vm0, $0xb8;
	[tilespmem:$0x1C000] =	vst v63  }
0x3b: {  	s14 =	simm.s32 $0x6000  }
0x3c: {  	[tilespmem:s14], [sflag:$0x1] =	stream.indirect_vreg.gather [hbm4b:s8+s3], $0x80, v2, vm0, $0xb8;
	[tilespmem:$0x1C000] =	vst v63  }
0x3d: {  	s15 =	simm.s32 $0x6800  }
0x3e: {  	[tilespmem:s15], [sflag:$0x1] =	stream.indirect_vreg.gather [hbm4b:s9+s3], $0x80, v2, vm0, $0xb8;
	[tilespmem:$0x1C000] =	vst v63  }
0x3f: {  	s17 =	simm.s32 $0x7000  }
0x40: {  	[tilespmem:s17], [sflag:$0x1] =	stream.indirect_vreg.gather [hbm4b:s11+s3], $0x80, v2, vm0, $0xb8;
	[tilespmem:$0x1C000] =	vst v63  }
0x41: {  	s18 =	simm.s32 $0x7800  }
0x42: {  	[tilespmem:s18], [sflag:$0x1] =	stream.indirect_vreg.gather [hbm4b:s12+s3], $0x80, v2, vm0, $0xb8;
	[tilespmem:$0x1C000] =	vst v63  }
0x43: {  	v2 =	vld.msk [tilespmem:$0x80], $0xf;
	_ =	sdelay $0x4  }
0x44: {  	v3 =	vshll.u32 v2, $0x5  }
0x45: {  	v2 =	vand.u32 $0x7, v2;
	v3 =	vand.u32 $0xFFFFFF00, v3  }
0x46: {  	v2 =	vor.u32 v2, v3  }
0x47: {  	v2 =	vperm.xlane v2, v0;
	_ =	sdelay $0x1  }
0x48: {  	v2 =	vadd.s32 v1, v2;
	_ =	sdelay $0x4  }
0x49: {  	[tilespmem:s25], [sflag:$0x2] =	stream.indirect_vreg.gather [hbm4b:s2+s3], $0x80, v2, vm0, $0xb8;
	[tilespmem:$0x1C000] =	vst v63  }
0x4a: {  	s20 =	simm.s32 $0x8800  }
0x4b: {  	[tilespmem:s20], [sflag:$0x2] =	stream.indirect_vreg.gather [hbm4b:s5+s3], $0x80, v2, vm0, $0xb8;
	[tilespmem:$0x1C000] =	vst v63  }
0x4c: {  	s21 =	simm.s32 $0x9000  }
0x4d: {  	[tilespmem:s21], [sflag:$0x2] =	stream.indirect_vreg.gather [hbm4b:s6+s3], $0x80, v2, vm0, $0xb8;
	[tilespmem:$0x1C000] =	vst v63  }
0x4e: {  	s25 =	simm.s32 $0x9800  }
0x4f: {  	[tilespmem:s25], [sflag:$0x2] =	stream.indirect_vreg.gather [hbm4b:s7+s3], $0x80, v2, vm0, $0xb8;
	[tilespmem:$0x1C000] =	vst v63  }
0x50: {  	s26 =	simm.s32 $0xA000  }
0x51: {  	[tilespmem:s26], [sflag:$0x2] =	stream.indirect_vreg.gather [hbm4b:s8+s3], $0x80, v2, vm0, $0xb8;
	[tilespmem:$0x1C000] =	vst v63  }
0x52: {  	s29 =	simm.s32 $0xA800  }
0x53: {  	[tilespmem:s29], [sflag:$0x2] =	stream.indirect_vreg.gather [hbm4b:s9+s3], $0x80, v2, vm0, $0xb8;
	[tilespmem:$0x1C000] =	vst v63  }
0x54: {  	s14 =	simm.s32 $0xB000  }
0x55: {  	[tilespmem:s14], [sflag:$0x2] =	stream.indirect_vreg.gather [hbm4b:s11+s3], $0x80, v2, vm0, $0xb8;
	[tilespmem:$0x1C000] =	vst v63  }
0x56: {  	s15 =	simm.s32 $0xB800  }
0x57: {  	[tilespmem:s15], [sflag:$0x2] =	stream.indirect_vreg.gather [hbm4b:s12+s3], $0x80, v2, vm0, $0xb8;
	[tilespmem:$0x1C000] =	vst v63  }
0x58: {  	v2 =	vld.msk [tilespmem:$0x100], $0xf;
	_ =	sdelay $0x4  }
0x59: {  	v3 =	vshll.u32 v2, $0x5  }
0x5a: {  	v2 =	vand.u32 $0x7, v2;
	v3 =	vand.u32 $0xFFFFFF00, v3  }
0x5b: {  	v2 =	vor.u32 v2, v3  }
0x5c: {  	v2 =	vperm.xlane v2, v0;
	_ =	sdelay $0x1  }
0x5d: {  	v2 =	vadd.s32 v1, v2;
	_ =	sdelay $0x4  }
0x5e: {  	[tilespmem:s1], [sflag:$0x3] =	stream.indirect_vreg.gather [hbm4b:s2+s3], $0x80, v2, vm0, $0xb8;
	[tilespmem:$0x1C000] =	vst v63  }
0x5f: {  	s17 =	simm.s32 $0xC800  }
0x60: {  	[tilespmem:s17], [sflag:$0x3] =	stream.indirect_vreg.gather [hbm4b:s5+s3], $0x80, v2, vm0, $0xb8;
	[tilespmem:$0x1C000] =	vst v63  }
0x61: {  	s18 =	simm.s32 $0xD000  }
0x62: {  	[tilespmem:s18], [sflag:$0x3] =	stream.indirect_vreg.gather [hbm4b:s6+s3], $0x80, v2, vm0, $0xb8;
	[tilespmem:$0x1C000] =	vst v63  }
0x63: {  	s20 =	simm.s32 $0xD800  }
0x64: {  	[tilespmem:s20], [sflag:$0x3] =	stream.indirect_vreg.gather [hbm4b:s7+s3], $0x80, v2, vm0, $0xb8;
	[tilespmem:$0x1C000] =	vst v63  }
0x65: {  	s21 =	simm.s32 $0xE000  }
0x66: {  	[tilespmem:s21], [sflag:$0x3] =	stream.indirect_vreg.gather [hbm4b:s8+s3], $0x80, v2, vm0, $0xb8;
	[tilespmem:$0x1C000] =	vst v63  }
0x67: {  	s25 =	simm.s32 $0xE800  }
0x68: {  	[tilespmem:s25], [sflag:$0x3] =	stream.indirect_vreg.gather [hbm4b:s9+s3], $0x80, v2, vm0, $0xb8;
	[tilespmem:$0x1C000] =	vst v63  }
0x69: {  	s26 =	simm.s32 $0xF000;
	s29 =	simm.s32 $0xF800  }
0x6a: {  	[tilespmem:s26], [sflag:$0x3] =	stream.indirect_vreg.gather [hbm4b:s11+s3], $0x80, v2, vm0, $0xb8;
	[tilespmem:$0x1C000] =	vst v63  }
0x6b: {  	s15 =	simm.s32 $0x300;
	s20 =	simm.s32 $0x0;
	s21 =	simm.s32 $0xC000  }
0x6c: {  	[tilespmem:s29], [sflag:$0x3] =	stream.indirect_vreg.gather [hbm4b:s12+s3], $0x80, v2, vm0, $0xb8;
	[tilespmem:$0x1C000] =	vst v63  }
.LBB2_2:
0x6d: {  	_ =	swait.ge [sflag:s31], $0x4000;
	s17 =	simm.s32 $0x4000  }
0x6e: {  	p0 =	seq.s32 s20, $0x0;
	[sflag:s31] =	ssyncset.done $0x0;
	s0 =	rddreg [dreg:$0x9]  }
0x6f: {  	s29 =	simm.s32 @!p0 $0x8;
	[sflag:s31] =	ssyncadd.s32 $0xFFFFC000;
	s26 =	sadd.s32 s20, s0  }
0x70: {  	[hbm4b:s26+s22] =	stream.strided.scatter [tilespmem:s17], [sflag:$0x5], $0x4000, s28, s22, $0x38;
	[tilespmem:$0x1C000] =	vst v63  }
0x71: {  	_ =	swait.ge @!p0 [sflag:s29], $0x4000  }
0x72: {  	s18 =	simm.s32 @!p0 $0x80;
	s25 =	simm.s32 @!p0 $0x40;
	s0 =	rddreg [dreg:$0xa]  }
0x73: {  	s17 =	simm.s32 @!p0 $0x4;
	[sflag:s29] =	ssyncset.done @!p0 $0x0;
	s1 =	sadd.s32 @!p0 s20, s0  }
0x74: {  	s14 =	rddreg [dreg:$0x6];
	s0 =	stileid.u32;
	s1 =	sadd.s32 @!p0 $0x1FFFF800, s1  }
0x75: {  	[sflag:s29] =	ssyncadd.s32 @!p0 $0xFFFFC000;
	s29 =	sshll.u32 @!p0 s0, $0x6;
	s1 =	sand.u32 @!p0 $0x1FFFF000, s1  }
0x76: {  	s29 =	sor.u32 @!p0 $0x1C0A, s29;
	s1 =	sadd.s32 @!p0 s1, s14;
	s14 =	sshrl.u32 @!p0 s13, $0x3  }
0x77: {  	[hbm:s1@s18], [sflag:s29] =	dma.strided @!p0 [spmem:s14@s25], $0x800, s17, $0x10   }
0x78: {  	v2 =	vld.msk [tilespmem:s15+$0xFFFFFE80], $0xf;
	_ =	sdelay $0x4  }
0x79: {  	v3 =	vshll.u32 v2, $0x5  }
0x7a: {  	v2 =	vand.u32 $0x7, v2;
	v3 =	vand.u32 $0xFFFFFF00, v3  }
0x7b: {  	v2 =	vor.u32 v2, v3  }
0x7c: {  	v2 =	vperm.xlane v2, v0;
	_ =	sdelay $0x1  }
0x7d: {  	v2 =	vadd.s32 v1, v2;
	_ =	sdelay $0x3  }
0x7e: {  	s18 =	simm.s32 $0x10000  }
0x7f: {  	[tilespmem:s18], [sflag:$0x4] =	stream.indirect_vreg.gather [hbm4b:s2+s3], $0x80, v2, vm0, $0xb8;
	[tilespmem:$0x1C000] =	vst v63  }
0x80: {  	s25 =	simm.s32 $0x10800  }
0x81: {  	[tilespmem:s25], [sflag:$0x4] =	stream.indirect_vreg.gather [hbm4b:s5+s3], $0x80, v2, vm0, $0xb8;
	[tilespmem:$0x1C000] =	vst v63  }
0x82: {  	s14 =	simm.s32 $0x11000  }
0x83: {  	[tilespmem:s14], [sflag:$0x4] =	stream.indirect_vreg.gather [hbm4b:s6+s3], $0x80, v2, vm0, $0xb8;
	[tilespmem:$0x1C000] =	vst v63  }
0x84: {  	s17 =	simm.s32 $0x11800  }
0x85: {  	[tilespmem:s17], [sflag:$0x4] =	stream.indirect_vreg.gather [hbm4b:s7+s3], $0x80, v2, vm0, $0xb8;
	[tilespmem:$0x1C000] =	vst v63  }
0x86: {  	s18 =	simm.s32 $0x12000  }
0x87: {  	[tilespmem:s18], [sflag:$0x4] =	stream.indirect_vreg.gather [hbm4b:s8+s3], $0x80, v2, vm0, $0xb8;
	[tilespmem:$0x1C000] =	vst v63  }
0x88: {  	s25 =	simm.s32 $0x12800  }
0x89: {  	[tilespmem:s25], [sflag:$0x4] =	stream.indirect_vreg.gather [hbm4b:s9+s3], $0x80, v2, vm0, $0xb8;
	[tilespmem:$0x1C000] =	vst v63  }
0x8a: {  	s14 =	simm.s32 $0x13000  }
0x8b: {  	[tilespmem:s14], [sflag:$0x4] =	stream.indirect_vreg.gather [hbm4b:s11+s3], $0x80, v2, vm0, $0xb8;
	[tilespmem:$0x1C000] =	vst v63  }
0x8c: {  	s17 =	simm.s32 $0x13800  }
0x8d: {  	[tilespmem:s17], [sflag:$0x4] =	stream.indirect_vreg.gather [hbm4b:s12+s3], $0x80, v2, vm0, $0xb8;
	[tilespmem:$0x1C000] =	vst v63  }
0x8e: {  	_ =	swait.ge [sflag:s16], $0x4000  }
0x8f: {  	[sflag:s16] =	ssyncset.done $0x0  }
0x90: {  	s1 =	simm.s32 @!p0 $0x9;
	[sflag:s16] =	ssyncadd.s32 $0xFFFFC000  }
0x91: {  	_ =	swait.ge @!p0 [sflag:s1], $0x800  }
0x92: {  	[sflag:s1] =	ssyncset.done @!p0 $0x0  }
0x93: {  	s25 =	simm.s32 $0x8000;
	[sflag:s1] =	ssyncadd.s32 @!p0 $0xFFFFF800  }
0x94: {  	[spmem:s10] =	stream.linear.scatter [tilespmem:s25], [sflag:$0x6], $0x4000, $0x38;
	[tilespmem:$0x1C000] =	vst v63  }
0x95: {  	_ =	swait.ge [sflag:s19], $0x4000  }
0x96: {  	[sflag:s19] =	ssyncset.done $0x0  }
0x97: {  	p1 =	seq.s32 s20, $0x3E000;
	[sflag:s19] =	ssyncadd.s32 $0xFFFFC000  }
0x98: {  	v2 =	vld.msk @!p1 [tilespmem:s15+$0xFFFFFF00], $0xf;
	_ =	sdelay $0x4  }
0x99: {  	v3 =	vshll.u32 @!p1 v2, $0x5  }
0x9a: {  	v4 =	vlaneseq.u32 @!p1;
	v2 =	vand.u32 @!p1 $0x7, v2;
	v3 =	vand.u32 @!p1 $0xFFFFFF00, v3  }
0x9b: {  	v2 =	vor.u32 @!p1 v2, v3;
	v3 =	vand.u32 @!p1 $0x3, v4;
	v4 =	vshrl.u32 @!p1 v4, $0x2  }
0x9c: {  	v2 =	vperm.xlane @!p1 v2, v3;
	v3 =	vmul.u32 @!p1 $0x8, v4;
	_ =	sdelay $0x1  }
0x9d: {  	v2 =	vadd.s32 @!p1 v3, v2;
	_ =	sdelay $0x3  }
0x9e: {  	vm1 =	vmmov @!p1 $0xffff;
	s14 =	simm.s32 @!p1 $0x4000;
	s1 =	simm.s32 @!p1 $0x0  }
0x9f: {  	[tilespmem:s14], [sflag:$0x1] =	stream.indirect_vreg.gather @!p1 [hbm4b:s2+s1], $0x80, v2, vm1, $0xb8;
	[tilespmem:$0x1C000] =	vst v63  }
0xa0: {  	s14 =	simm.s32 @!p1 $0x4800  }
0xa1: {  	[tilespmem:s14], [sflag:$0x1] =	stream.indirect_vreg.gather @!p1 [hbm4b:s5+s1], $0x80, v2, vm1, $0xb8;
	[tilespmem:$0x1C000] =	vst v63  }
0xa2: {  	s14 =	simm.s32 @!p1 $0x5000  }
0xa3: {  	[tilespmem:s14], [sflag:$0x1] =	stream.indirect_vreg.gather @!p1 [hbm4b:s6+s1], $0x80, v2, vm1, $0xb8;
	[tilespmem:$0x1C000] =	vst v63  }
0xa4: {  	s14 =	simm.s32 @!p1 $0x5800  }
0xa5: {  	[tilespmem:s14], [sflag:$0x1] =	stream.indirect_vreg.gather @!p1 [hbm4b:s7+s1], $0x80, v2, vm1, $0xb8;
	[tilespmem:$0x1C000] =	vst v63  }
0xa6: {  	s14 =	simm.s32 @!p1 $0x6000  }
0xa7: {  	[tilespmem:s14], [sflag:$0x1] =	stream.indirect_vreg.gather @!p1 [hbm4b:s8+s1], $0x80, v2, vm1, $0xb8;
	[tilespmem:$0x1C000] =	vst v63  }
0xa8: {  	s14 =	simm.s32 @!p1 $0x6800  }
0xa9: {  	[tilespmem:s14], [sflag:$0x1] =	stream.indirect_vreg.gather @!p1 [hbm4b:s9+s1], $0x80, v2, vm1, $0xb8;
	[tilespmem:$0x1C000] =	vst v63  }
0xaa: {  	s14 =	simm.s32 @!p1 $0x7000  }
0xab: {  	[tilespmem:s14], [sflag:$0x1] =	stream.indirect_vreg.gather @!p1 [hbm4b:s11+s1], $0x80, v2, vm1, $0xb8;
	[tilespmem:$0x1C000] =	vst v63  }
0xac: {  	s14 =	simm.s32 @!p1 $0x7800  }
0xad: {  	[tilespmem:s14], [sflag:$0x1] =	stream.indirect_vreg.gather @!p1 [hbm4b:s12+s1], $0x80, v2, vm1, $0xb8;
	[tilespmem:$0x1C000] =	vst v63  }
0xae: {  	_ =	swait.ge [sflag:s30], $0x4000  }
0xaf: {  	[sflag:s30] =	ssyncset.done $0x0  }
0xb0: {  	p2 =	sne.s32 s20, $0x3E000;
	s18 =	sadd.s32 $0x1000, s26;
	[sflag:s30] =	ssyncadd.s32 $0xFFFFC000  }
0xb1: {  	[hbm4b:s18+s22] =	stream.strided.scatter [tilespmem:s21], [sflag:$0x7], $0x4000, s28, s22, $0x38;
	[tilespmem:$0x1C000] =	vst v63  }
.Ltmp2:
0xb2: {  	s29 =	sshll.u32 s0, $0x6;
	(pc) =	sbr.rel @p2 .LBB2_4-.Ltmp2, $4  }
0xb3: {  	s0 =	sshrl.u32 s10, $0x3;
	s17 =	sor.u32 $0x1C09, s29;
	_ =	swait.ge [sflag:s23], $0x4000  }
0xb4: {  	s14 =	sadd.s32 $0x40, s26;
	s26 =	simm.s32 $0x40;
	[sflag:s23] =	ssyncset.done $0x0  }
0xb5: {  	s18 =	stileid.u32;
	s21 =	simm.s32 $0x80;
	[sflag:s23] =	ssyncadd.s32 $0xFFFFC000  }
0xb6: {  	[hbm:s14@s21], [sflag:s17] =	dma.strided [spmem:s0@s26], $0x800, s24, $0x10   }
.Ltmp3:
0xb7: {  	(pc) =	sbr.rel .LBB2_5-.Ltmp3, $4  }
0xb8: {  	_ = 	snop  }
0xb9: {  	_ =	swait.ge [sflag:s24], $0x4000  }
0xba: {  	[sflag:s24] =	ssyncset.done $0x0  }
0xbb: {  	[sflag:s24] =	ssyncadd.s32 $0xFFFFC000  }
.LBB2_4:
0xbc: {  	v2 =	vld.msk [tilespmem:s15+$0xFFFFFF80], $0xf;
	_ =	sdelay $0x4  }
0xbd: {  	v3 =	vshll.u32 v2, $0x5  }
0xbe: {  	v2 =	vand.u32 $0x7, v2;
	v3 =	vand.u32 $0xFFFFFF00, v3  }
0xbf: {  	v2 =	vor.u32 v2, v3  }
0xc0: {  	v2 =	vperm.xlane v2, v0;
	_ =	sdelay $0x1  }
0xc1: {  	v2 =	vadd.s32 v1, v2;
	_ =	sdelay $0x4  }
0xc2: {  	[tilespmem:s25], [sflag:$0x2] =	stream.indirect_vreg.gather [hbm4b:s2+s3], $0x80, v2, vm0, $0xb8;
	[tilespmem:$0x1C000] =	vst v63  }
0xc3: {  	s0 =	simm.s32 $0x8800  }
0xc4: {  	[tilespmem:s0], [sflag:$0x2] =	stream.indirect_vreg.gather [hbm4b:s5+s3], $0x80, v2, vm0, $0xb8;
	[tilespmem:$0x1C000] =	vst v63  }
0xc5: {  	s26 =	simm.s32 $0x9000  }
0xc6: {  	[tilespmem:s26], [sflag:$0x2] =	stream.indirect_vreg.gather [hbm4b:s6+s3], $0x80, v2, vm0, $0xb8;
	[tilespmem:$0x1C000] =	vst v63  }
0xc7: {  	s1 =	simm.s32 $0x9800  }
0xc8: {  	[tilespmem:s1], [sflag:$0x2] =	stream.indirect_vreg.gather [hbm4b:s7+s3], $0x80, v2, vm0, $0xb8;
	[tilespmem:$0x1C000] =	vst v63  }
0xc9: {  	s14 =	simm.s32 $0xA000  }
0xca: {  	[tilespmem:s14], [sflag:$0x2] =	stream.indirect_vreg.gather [hbm4b:s8+s3], $0x80, v2, vm0, $0xb8;
	[tilespmem:$0x1C000] =	vst v63  }
0xcb: {  	s17 =	simm.s32 $0xA800  }
0xcc: {  	[tilespmem:s17], [sflag:$0x2] =	stream.indirect_vreg.gather [hbm4b:s9+s3], $0x80, v2, vm0, $0xb8;
	[tilespmem:$0x1C000] =	vst v63  }
0xcd: {  	s21 =	simm.s32 $0xB000  }
0xce: {  	[tilespmem:s21], [sflag:$0x2] =	stream.indirect_vreg.gather [hbm4b:s11+s3], $0x80, v2, vm0, $0xb8;
	[tilespmem:$0x1C000] =	vst v63  }
.Ltmp4:
0xcf: {  	s26 =	simm.s32 $0xB800;
	(pc) =	sbr.rel @p0 .LBB2_6-.Ltmp4, $4  }
0xd0: {  	[tilespmem:s26], [sflag:$0x2] =	stream.indirect_vreg.gather [hbm4b:s12+s3], $0x80, v2, vm0, $0xb8;
	[tilespmem:$0x1C000] =	vst v63  }
0xd1: {  	_ =	swait.ge [sflag:s24], $0x4000  }
0xd2: {  	[sflag:s24] =	ssyncset.done $0x0  }
0xd3: {  	[sflag:s24] =	ssyncadd.s32 $0xFFFFC000  }
.LBB2_5:
0xd4: {  	s0 =	simm.s32 $0xA  }
0xd5: {  	_ =	swait.ge [sflag:s0], $0x800  }
0xd6: {  	[sflag:s0] =	ssyncset.done $0x0  }
0xd7: {  	[sflag:s0] =	ssyncadd.s32 $0xFFFFF800  }
.LBB2_6:
.Ltmp5:
0xd8: {  	s0 =	simm.s32 $0x10000;
	(pc) =	sbr.rel @p1 .LBB2_8-.Ltmp5, $4  }
0xd9: {  	[spmem:s13] =	stream.linear.scatter [tilespmem:s0], [sflag:$0x8], $0x4000, $0x38;
	[tilespmem:$0x1C000] =	vst v63  }
0xda: {  	_ =	swait.ge [sflag:s4], $0x4000  }
0xdb: {  	[sflag:s4] =	ssyncset.done $0x0  }
0xdc: {  	[sflag:s4] =	ssyncadd.s32 $0xFFFFC000  }
0xdd: {  	v2 =	vld.msk [tilespmem:s15+$0x0], $0xf;
	_ =	sdelay $0x4  }
0xde: {  	v3 =	vshll.u32 v2, $0x5  }
0xdf: {  	v2 =	vand.u32 $0x7, v2;
	v3 =	vand.u32 $0xFFFFFF00, v3  }
0xe0: {  	v2 =	vor.u32 v2, v3  }
0xe1: {  	v2 =	vperm.xlane v2, v0;
	_ =	sdelay $0x1  }
0xe2: {  	v2 =	vadd.s32 v1, v2;
	_ =	sdelay $0x3  }
0xe3: {  	s21 =	simm.s32 $0xC000  }
0xe4: {  	[tilespmem:s21], [sflag:$0x3] =	stream.indirect_vreg.gather [hbm4b:s2+s3], $0x80, v2, vm0, $0xb8;
	[tilespmem:$0x1C000] =	vst v63  }
0xe5: {  	s0 =	simm.s32 $0xC800  }
0xe6: {  	[tilespmem:s0], [sflag:$0x3] =	stream.indirect_vreg.gather [hbm4b:s5+s3], $0x80, v2, vm0, $0xb8;
	[tilespmem:$0x1C000] =	vst v63  }
0xe7: {  	s14 =	simm.s32 $0xD000  }
0xe8: {  	[tilespmem:s14], [sflag:$0x3] =	stream.indirect_vreg.gather [hbm4b:s6+s3], $0x80, v2, vm0, $0xb8;
	[tilespmem:$0x1C000] =	vst v63  }
0xe9: {  	s17 =	simm.s32 $0xD800  }
0xea: {  	[tilespmem:s17], [sflag:$0x3] =	stream.indirect_vreg.gather [hbm4b:s7+s3], $0x80, v2, vm0, $0xb8;
	[tilespmem:$0x1C000] =	vst v63  }
0xeb: {  	s18 =	simm.s32 $0xE000  }
0xec: {  	[tilespmem:s18], [sflag:$0x3] =	stream.indirect_vreg.gather [hbm4b:s8+s3], $0x80, v2, vm0, $0xb8;
	[tilespmem:$0x1C000] =	vst v63  }
0xed: {  	s25 =	simm.s32 $0xE800  }
0xee: {  	[tilespmem:s25], [sflag:$0x3] =	stream.indirect_vreg.gather [hbm4b:s9+s3], $0x80, v2, vm0, $0xb8;
	[tilespmem:$0x1C000] =	vst v63  }
.Ltmp6:
0xef: {  	_ = 	snop;
	(pc) =	sbr.rel .LBB2_2-.Ltmp6, $4  }
0xf0: {  	s26 =	simm.s32 $0xF000  }
0xf1: {  	[tilespmem:s26], [sflag:$0x3] =	stream.indirect_vreg.gather [hbm4b:s11+s3], $0x80, v2, vm0, $0xb8;
	[tilespmem:$0x1C000] =	vst v63  }
0xf2: {  	s29 =	simm.s32 $0xF800;
	s20 =	sadd.s32 $0x2000, s20;
	s15 =	sadd.s32 $0x200, s15  }
0xf3: {  	[tilespmem:s29], [sflag:$0x3] =	stream.indirect_vreg.gather [hbm4b:s12+s3], $0x80, v2, vm0, $0xb8;
	[tilespmem:$0x1C000] =	vst v63  }
.LBB2_9:
0xf4: {  	_ =	sfence.sel $0x180000  }
0xf5: {  	[bflag:$0x0] =	sbarrier.arrive $0xFFFF  }
0xf6: {  	_ =	strace $0x90000047  }
0xf7: {  	[bflag:$0x2] =	sbarrier.arrive $0xFFFF  }
0xf8: {  	p0 =	sne.s32 s18, $0x0;
	s0 =	rddreg [dreg:$0x4]  }
0xf9: {  	s0 =	sadd.s32 @!p0 $0x100000, s0  }
0xfa: {  	[sflag:s0] =	ssyncadd.tile.s32 @!p0 $0x1;
	_ =	shalt  }
.Lfunc_end2:
_tile_overlayer_lowered:
.L_overlay_start_2:
0xfb: {  	(tag) =	ssettag $0x2  }
0xfc: {  	s0 =	rddreg [dreg:$0x0];
	s2 =	stileid.u32  }
0xfd: {  	s1 =	rddreg [dreg:$0x1];
	p0 =	sne.s32 s2, $0x0  }
0xfe: {  	s3 =	rddreg [dreg:$0x2];
	[bflag:$0x3] =	sbarrier.arrive $0xFFFF;
	s2 =	simm.s32 @!p0 $0x1C0B  }
0xff: {  	[timem:s3], [sflag:s2] =	dma.local @!p0 [hbm:s0], s1  }
0x100: {  	s0 =	simm.s32 @!p0 $0xB  }
0x101: {  	_ =	swait.ge @!p0 [sflag:s0], s1  }
0x102: {  	s1 =	ssub.s32 @!p0 $0x0, s1;
	[sflag:s0] =	ssyncset.done @!p0 $0x0  }
0x103: {  	[sflag:s0] =	ssyncadd.s32 @!p0 s1  }
0x104: {  	[bflag:$0x3] =	sbarrier.arrive $0xFFFF  }
0x105: {  	_ =	shalt  }

</sc_bundles>
